<compile_context>
chip_gen: v7x
topology: tpu7x:2x2x1
jax: 0.10.2.dev20260603
libtpu: 0.0.44.dev20260713+nightly
codegen_flags: <defaults>
</compile_context>

<pallas_src>
import jax
import jax.numpy as jnp
from jax import lax
from jax.experimental import pallas as pl

_N = 10000
_E = 320000
_D = 128
_BM = 400


def _mm_scale_body(x_ref, w_ref, deg_ref, hp_ref, dinv_ref):
    dinv = lax.rsqrt(deg_ref[...] + 1.0)
    mm = jnp.dot(x_ref[...], w_ref[...], preferred_element_type=jnp.float32)
    hp_ref[...] = mm * dinv
    dinv_ref[...] = dinv


def _epilogue_body(x_ref, agg_ref, hp_ref, dinv_ref, b_ref, out_ref):
    v = (agg_ref[...] + hp_ref[...]) * dinv_ref[...] + b_ref[...][None, :]
    out_ref[...] = x_ref[...] + jnp.maximum(v, 0.0)


def kernel(x, edge_index, W, b):
    src = edge_index[0].astype(jnp.int32)
    dst = edge_index[1].astype(jnp.int32)

    deg = jnp.zeros((_N, 1), jnp.float32).at[dst].add(
        jnp.ones((_E, 1), jnp.float32))

    nblocks = _N // _BM
    hp, dinv = pl.pallas_call(
        _mm_scale_body,
        grid=(nblocks,),
        in_specs=[
            pl.BlockSpec((_BM, _D), lambda i: (i, 0)),
            pl.BlockSpec((_D, _D), lambda i: (0, 0)),
            pl.BlockSpec((_BM, 1), lambda i: (i, 0)),
        ],
        out_specs=[
            pl.BlockSpec((_BM, _D), lambda i: (i, 0)),
            pl.BlockSpec((_BM, 1), lambda i: (i, 0)),
        ],
        out_shape=[
            jax.ShapeDtypeStruct((_N, _D), jnp.float32),
            jax.ShapeDtypeStruct((_N, 1), jnp.float32),
        ],
    )(x, W, deg)

    agg = jnp.zeros((_N, _D), jnp.float32).at[dst].add(hp[src])

    out = pl.pallas_call(
        _epilogue_body,
        grid=(nblocks,),
        in_specs=[
            pl.BlockSpec((_BM, _D), lambda i: (i, 0)),
            pl.BlockSpec((_BM, _D), lambda i: (i, 0)),
            pl.BlockSpec((_BM, _D), lambda i: (i, 0)),
            pl.BlockSpec((_BM, 1), lambda i: (i, 0)),
            pl.BlockSpec((_D,), lambda i: (0,)),
        ],
        out_specs=pl.BlockSpec((_BM, _D), lambda i: (i, 0)),
        out_shape=jax.ShapeDtypeStruct((_N, _D), jnp.float32),
    )(x, agg, hp, dinv, b)

    return out

# --- scband reference (transcript-rebuilt; emitter-appended) ---
"""Pipeline reference for scband-pos-gcn-84602265796922 (READ-ONLY COPY).

The authoritative reference and input builder live on the scoring server;
editing this copy changes nothing except your own understanding.
"""

import jax, jax.numpy as jnp
import numpy as np

N = 10000
E = 320000
D = 128

def setup_inputs(seed: int = 0) -> dict:
    key = jax.random.key(seed)
    k1, k2, k3 = jax.random.split(key, 3)
    x = jax.random.normal(k1, (N, D), dtype=jnp.float32)
    edge_index = jax.random.randint(k2, (2, E), 0, N).astype(jnp.int64)
    # Learned params of the inner GCNConv(embed_dim): weight [D, D] and bias [D]
    W = jax.random.normal(k3, (D, D), dtype=jnp.float32) * 0.05
    b = jnp.zeros((D,), dtype=jnp.float32)
    return {"x": x, "edge_index": edge_index, "W": W, "b": b}


def reference(x, edge_index, W, b):
    # PosGCN.call: gcn_pos = GCNConv(embed_dim, relu)((x, adj)); return x + gcn_pos
    # GCNConv: out = relu(D_hat^{-1/2} (A + I) D_hat^{-1/2} (x @ W) + b)
    n = x.shape[0]
    src = edge_index[0]
    dst = edge_index[1]
    ones = jnp.ones((src.shape[0],), dtype=x.dtype)
    # degree with self-loop
    deg = jnp.zeros((n,), dtype=x.dtype).at[dst].add(ones) + 1.0
    dinv = jax.lax.rsqrt(deg)
    norm = dinv[src] * dinv[dst]
    h = x @ W
    # neighbor messages (gather) + scatter-add aggregation
    msgs = h[src] * norm[:, None]
    agg = jnp.zeros_like(h).at[dst].add(msgs)
    # self-loop contribution: dinv[i]*dinv[i] = 1/deg[i]
    agg = agg + h * (1.0 / deg)[:, None]
    gcn_pos = jax.nn.relu(agg + b)
    return x + gcn_pos

if __name__ == "__main__":
    import jax
    _d = setup_inputs()
    print(jax.jit(kernel)(*tuple(_d.values())))

</pallas_src>

<mosaic_0001>
module attributes {stable_mosaic.version = 14 : i64} {
  func.func @_mm_scale_body(%arg0: i32, %arg1: memref<400x128xf32, #tpu.memory_space<vmem>>, %arg2: memref<128x128xf32, #tpu.memory_space<vmem>>, %arg3: memref<400x1xf32, #tpu.memory_space<vmem>>, %arg4: memref<400x128xf32, #tpu.memory_space<vmem>>, %arg5: memref<400x1xf32, #tpu.memory_space<vmem>>) attributes {dimension_semantics = [#tpu.dimension_semantics<arbitrary>], iteration_bounds = array<i64: 25>, scalar_prefetch = 0 : i64, scratch_operands = 0 : i64, tpu.core_type = #tpu.core_type<tc>, window_params = [{transform_indices = @transform_0, window_bounds = array<i64: 400, 128>}, {pipeline_mode = #tpu.pipeline_mode<synchronous>, transform_indices = @transform_1, window_bounds = array<i64: 128, 128>}, {transform_indices = @transform_2, window_bounds = array<i64: 400, 1>}, {transform_indices = @transform_3, window_bounds = array<i64: 400, 128>}, {transform_indices = @transform_4, window_bounds = array<i64: 400, 1>}]} {
    %get3A = arith.constant 0 : index
    %get3A_0 = arith.constant 0 : index
    %get3A_1 = vector.load %arg3[%get3A, %get3A_0] : memref<400x1xf32, #tpu.memory_space<vmem>>, vector<400x1xf32>
    %add3A = arith.constant 1.000000e+00 : f32
    %add3A_2 = vector.broadcast %add3A : f32 to vector<400x1xf32>
    %add3A_3 = arith.addf %get3A_1, %add3A_2 : vector<400x1xf32>
    %rsqrt3A = math.rsqrt %add3A_3 : vector<400x1xf32>
    %get3A_4 = arith.constant 0 : index
    %get3A_5 = arith.constant 0 : index
    %get3A_6 = vector.load %arg1[%get3A_4, %get3A_5] : memref<400x128xf32, #tpu.memory_space<vmem>>, vector<400x128xf32>
    %get3A_7 = arith.constant 0 : index
    %get3A_8 = arith.constant 0 : index
    %get3A_9 = vector.load %arg2[%get3A_7, %get3A_8] : memref<128x128xf32, #tpu.memory_space<vmem>>, vector<128x128xf32>
    %dot_general3A = arith.constant dense<0.000000e+00> : vector<400x128xf32>
    %dot_general3A_10 = tpu.matmul %get3A_6, %get3A_9, %dot_general3A {dimension_numbers = #tpu.dot_dimension_numbers<[1], [0], [0], [1], [0, 0, 1, 1], [], []>, transpose_lhs_hint = false} : vector<400x128xf32>, vector<128x128xf32>, vector<400x128xf32> -> vector<400x128xf32>
    %mul3A = vector.broadcast %rsqrt3A : vector<400x1xf32> to vector<400x128xf32>
    %mul3A_11 = arith.mulf %dot_general3A_10, %mul3A : vector<400x128xf32>
    %swap3A = arith.constant 0 : index
    %swap3A_12 = arith.constant 0 : index
    %swap3A_13 = vector.load %arg4[%swap3A, %swap3A_12] : memref<400x128xf32, #tpu.memory_space<vmem>>, vector<400x128xf32>
    tpu.vector_store %arg4[%swap3A, %swap3A_12], %mul3A_11 {strides = array<i32>} : memref<400x128xf32, #tpu.memory_space<vmem>>, vector<400x128xf32>,
    %swap3A_14 = arith.constant 0 : index
    %swap3A_15 = arith.constant 0 : index
    %swap3A_16 = vector.load %arg5[%swap3A_14, %swap3A_15] : memref<400x1xf32, #tpu.memory_space<vmem>>, vector<400x1xf32>
    tpu.vector_store %arg5[%swap3A_14, %swap3A_15], %rsqrt3A {strides = array<i32>} : memref<400x1xf32, #tpu.memory_space<vmem>>, vector<400x1xf32>,
    return
  }
  func.func @transform_0(%arg0: i32) -> (i32, i32) {
    %c0_i32 = arith.constant 0 : i32
    %c0_i32_0 = arith.constant 0 : i32
    return %arg0, %c0_i32 : i32, i32
  }
  func.func @transform_1(%arg0: i32) -> (i32, i32) {
    %c0_i32 = arith.constant 0 : i32
    %c0_i32_0 = arith.constant 0 : i32
    %c0_i32_1 = arith.constant 0 : i32
    return %c0_i32, %c0_i32_0 : i32, i32
  }
  func.func @transform_2(%arg0: i32) -> (i32, i32) {
    %c0_i32 = arith.constant 0 : i32
    %c0_i32_0 = arith.constant 0 : i32
    return %arg0, %c0_i32 : i32, i32
  }
  func.func @transform_3(%arg0: i32) -> (i32, i32) {
    %c0_i32 = arith.constant 0 : i32
    %c0_i32_0 = arith.constant 0 : i32
    return %arg0, %c0_i32 : i32, i32
  }
  func.func @transform_4(%arg0: i32) -> (i32, i32) {
    %c0_i32 = arith.constant 0 : i32
    %c0_i32_0 = arith.constant 0 : i32
    return %arg0, %c0_i32 : i32, i32
  }
}

module attributes {stable_mosaic.version = 14 : i64} {
  func.func @_epilogue_body(%arg0: i32, %arg1: memref<400x128xf32, #tpu.memory_space<vmem>>, %arg2: memref<400x128xf32, #tpu.memory_space<vmem>>, %arg3: memref<400x128xf32, #tpu.memory_space<vmem>>, %arg4: memref<400x1xf32, #tpu.memory_space<vmem>>, %arg5: memref<128xf32, #tpu.memory_space<vmem>>, %arg6: memref<400x128xf32, #tpu.memory_space<vmem>>) attributes {dimension_semantics = [#tpu.dimension_semantics<arbitrary>], iteration_bounds = array<i64: 25>, scalar_prefetch = 0 : i64, scratch_operands = 0 : i64, tpu.core_type = #tpu.core_type<tc>, window_params = [{transform_indices = @transform_0, window_bounds = array<i64: 400, 128>}, {transform_indices = @transform_1, window_bounds = array<i64: 400, 128>}, {transform_indices = @transform_2, window_bounds = array<i64: 400, 128>}, {transform_indices = @transform_3, window_bounds = array<i64: 400, 1>}, {pipeline_mode = #tpu.pipeline_mode<synchronous>, transform_indices = @transform_4, window_bounds = array<i64: 128>}, {transform_indices = @transform_5, window_bounds = array<i64: 400, 128>}]} {
    %get3A = arith.constant 0 : index
    %get3A_0 = arith.constant 0 : index
    %get3A_1 = vector.load %arg2[%get3A, %get3A_0] : memref<400x128xf32, #tpu.memory_space<vmem>>, vector<400x128xf32>
    %get3A_2 = arith.constant 0 : index
    %get3A_3 = arith.constant 0 : index
    %get3A_4 = vector.load %arg3[%get3A_2, %get3A_3] : memref<400x128xf32, #tpu.memory_space<vmem>>, vector<400x128xf32>
    %add3A = arith.addf %get3A_1, %get3A_4 : vector<400x128xf32>
    %get3A_5 = arith.constant 0 : index
    %get3A_6 = arith.constant 0 : index
    %get3A_7 = vector.load %arg4[%get3A_5, %get3A_6] : memref<400x1xf32, #tpu.memory_space<vmem>>, vector<400x1xf32>
    %mul3A = vector.broadcast %get3A_7 : vector<400x1xf32> to vector<400x128xf32>
    %mul3A_8 = arith.mulf %add3A, %mul3A : vector<400x128xf32>
    %get3A_9 = arith.constant 0 : index
    %get3A_10 = vector.load %arg5[%get3A_9] : memref<128xf32, #tpu.memory_space<vmem>>, vector<128xf32>
    %broadcast_in_dim3A = vector.shape_cast %get3A_10 : vector<128xf32> to vector<1x128xf32>
    %add3A_11 = vector.broadcast %broadcast_in_dim3A : vector<1x128xf32> to vector<400x128xf32>
    %add3A_12 = arith.addf %mul3A_8, %add3A_11 : vector<400x128xf32>
    %get3A_13 = arith.constant 0 : index
    %get3A_14 = arith.constant 0 : index
    %get3A_15 = vector.load %arg1[%get3A_13, %get3A_14] : memref<400x128xf32, #tpu.memory_space<vmem>>, vector<400x128xf32>
    %max3A = arith.constant 0.000000e+00 : f32
    %max3A_16 = vector.broadcast %max3A : f32 to vector<400x128xf32>
    %max3A_17 = arith.maximumf %add3A_12, %max3A_16 : vector<400x128xf32>
    %add3A_18 = arith.addf %get3A_15, %max3A_17 : vector<400x128xf32>
    %swap3A = arith.constant 0 : index
    %swap3A_19 = arith.constant 0 : index
    %swap3A_20 = vector.load %arg6[%swap3A, %swap3A_19] : memref<400x128xf32, #tpu.memory_space<vmem>>, vector<400x128xf32>
    tpu.vector_store %arg6[%swap3A, %swap3A_19], %add3A_18 {strides = array<i32>} : memref<400x128xf32, #tpu.memory_space<vmem>>, vector<400x128xf32>,
    return
  }
  func.func @transform_0(%arg0: i32) -> (i32, i32) {
    %c0_i32 = arith.constant 0 : i32
    %c0_i32_0 = arith.constant 0 : i32
    return %arg0, %c0_i32 : i32, i32
  }
  func.func @transform_1(%arg0: i32) -> (i32, i32) {
    %c0_i32 = arith.constant 0 : i32
    %c0_i32_0 = arith.constant 0 : i32
    return %arg0, %c0_i32 : i32, i32
  }
  func.func @transform_2(%arg0: i32) -> (i32, i32) {
    %c0_i32 = arith.constant 0 : i32
    %c0_i32_0 = arith.constant 0 : i32
    return %arg0, %c0_i32 : i32, i32
  }
  func.func @transform_3(%arg0: i32) -> (i32, i32) {
    %c0_i32 = arith.constant 0 : i32
    %c0_i32_0 = arith.constant 0 : i32
    return %arg0, %c0_i32 : i32, i32
  }
  func.func @transform_4(%arg0: i32) -> i32 {
    %c0_i32 = arith.constant 0 : i32
    %c0_i32_0 = arith.constant 0 : i32
    return %c0_i32 : i32
  }
  func.func @transform_5(%arg0: i32) -> (i32, i32) {
    %c0_i32 = arith.constant 0 : i32
    %c0_i32_0 = arith.constant 0 : i32
    return %arg0, %c0_i32 : i32, i32
  }
}

</mosaic_0001>

<sc_bundles>
// kernel: scatter_offload_async_start.1
scs
__scs_entry_jumppad:
0x0: {  	(pc) =	sbr.rel $0x88, $3  }
0x1: {  	(tag) =	ssettag $0x0;
	lr =	simm.s32 $0x1  }
0x2: {  	[smem:$0x3F9D] =	sst lr;
	_ =	strace $0xD0000000  }
0x3: {  	_ = 	snop  }
0x4: {  	_ = 	snop  }
0x5: {  	_ = 	snop  }
0x6: {  	_ = 	snop  }
0x7: {  	_ = 	snop  }
__scs_overlays_trampoline_lowered:
0x8: {  	[smem:$0x3FAC] =	sst s0  }
0x9: {  	[smem:$0x3FAD] =	sst s1  }
0xa: {  	[smem:$0x3FAE] =	sst s2  }
0xb: {  	[smem:$0x3FAF] =	sst s3  }
0xc: {  	[smem:$0x3FB0] =	sst s4  }
0xd: {  	[smem:$0x3FB1] =	sst s5  }
0xe: {  	[smem:$0x3FB2] =	sst s6  }
0xf: {  	[smem:$0x3FB3] =	sst s7  }
0x10: {  	[smem:$0x3FB4] =	sst s8  }
0x11: {  	[smem:$0x3FB5] =	sst s9;
	s0 =	simm.s32 @!p0 $0x0  }
0x12: {  	s1 =	sld [smem:$0x3F9B];
	s0 =	simm.s32 @p0 $0x1  }
0x13: {  	[smem:$0x3FB6] =	sst s0;
	s0 =	simm.s32 @!p1 $0x0  }
0x14: {  	s2 =	sld [smem:$0x3F9A];
	s0 =	simm.s32 @p1 $0x1  }
0x15: {  	[smem:$0x3FB7] =	sst s0;
	s0 =	simm.s32 @!p2 $0x0  }
0x16: {  	s3 =	sld [smem:$0x3FDB];
	s0 =	simm.s32 @p2 $0x1  }
0x17: {  	s4 =	simm.s32 $0x1BF5;
	[smem:$0x3FB9] =	sst s0  }
0x18: {  	s0 =	sld [smem:$0x3F9C];
	_ =	swait.ge [sflag:s4], $0x0  }
0x19: {  	s7 =	sld [smem:$0x3F9D]  }
0x1a: {  	s8 =	sadd.s32 $0xFFFFE003, lr  }
0x1b: {  	s9 =	sadd.s32 $0xFFFFFEF7, lr;
	s5 =	simm.s32 $0xFFFFFFFF;
	p2 =	slt.u32 s8, $0xFFFFF086  }
0x1c: {  	p1 =	slt.u32 s9, $0xF7A;
	s5 =	simm.s32 @!p2 $0x0  }
0x1d: {  	s5 =	simm.s32 @p1 $0x1;
	p0 =	seq.s32 s7, s2  }
0x1e: {  	s7 =	smul.u32 @!p0 $0xF7A, s2;
	p2 =	seq.s32 @!p0 s5, $0x0  }
0x1f: {  	s9 =	smul.u32 $0xF7A, s1;
	s8 =	simm.s32 @!p0 $0x1BF5;
	p2 =	por !p2, p0  }
0x20: {  	[sflag:s8] =	ssyncset.s32 @!p0 $0xFFFFF086;
	s6 =	sadd.s32 @!p0 s3, s7;
	s7 =	simm.s32 @!p0 $0x108  }
0x21: {  	s3 =	sadd.s32 s3, s9;
	s6 =	sadd.s32 @!p0 $0x88, s6;
	s7 =	simm.s32 @p2 $0x1082  }
0x22: {  	[simem:s7], [sflag:s8] =	dma.local @!p0 [hbm:s6], $0xF7A  }
0x23: {  	s9 =	sor.u32 $0xD0000000, s2;
	s6 =	simm.s32 $0x108;
	_ =	swait.ge @!p0 [sflag:s8], $0x0  }
0x24: {  	s3 =	sadd.s32 $0x88, s3;
	s6 =	simm.s32 @!p1 $0x1082;
	[sflag:s4] =	ssyncset.s32 $0xFFFFF086  }
0x25: {  	[simem:s6], [sflag:s4] =	dma.local [hbm:s3], $0xF7A  }
0x26: {  	[smem:$0x3F9D] =	sst s1;
	(tag) =	ssettag s2;
	_ =	strace s9  }
0x27: {  	s1 =	sld [smem:$0x3FAD]  }
0x28: {  	s2 =	sld [smem:$0x3FAE]  }
0x29: {  	s4 =	sld [smem:$0x3FB0]  }
0x2a: {  	p0 =	seq.s32 s5, $0x0;
	s5 =	sld [smem:$0x3FB1]  }
0x2b: {  	s6 =	sld [smem:$0x3FB2]  }
0x2c: {  	s7 =	sld [smem:$0x3FB3]  }
0x2d: {  	s3 =	simm.s32 $0x108;
	s8 =	sld [smem:$0x3FB4]  }
0x2e: {  	s3 =	simm.s32 @!p0 $0x1082;
	s9 =	sld [smem:$0x3FB5]  }
0x2f: {  	lr =	sadd.s32 s0, s3;
	s0 =	sld [smem:$0x3FAC]  }
0x30: {  	s3 =	sld [smem:$0x3FAF]  }
0x31: {  	[smem:$0x3FB8] =	sst s10  }
0x32: {  	s10 =	sld [smem:$0x3FB6];
	_ =	sdelay $0x3  }
0x33: {  	p0 =	seq.s32 s10, $0x1;
	s10 =	sld [smem:$0x3FB8];
	_ =	sdelay $0x3  }
0x34: {  	[smem:$0x3FB8] =	sst s10  }
0x35: {  	s10 =	sld [smem:$0x3FB7];
	_ =	sdelay $0x3  }
0x36: {  	p1 =	seq.s32 s10, $0x1;
	s10 =	sld [smem:$0x3FB8];
	_ =	sdelay $0x3  }
0x37: {  	[smem:$0x3FB8] =	sst s10  }
0x38: {  	s10 =	sld [smem:$0x3FB9]  }
0x39: {  	_ = 	snop;
	(pc) =	sbr.ind lr, $3  }
0x3a: {  	_ = 	snop  }
0x3b: {  	_ = 	snop  }
0x3c: {  	p2 =	seq.s32 s10, $0x1;
	s10 =	sld [smem:$0x3FB8]  }
0x3d: {  	_ =	shalt  }
0x3e: {  	_ =	shalt  }
0x3f: {  	_ =	shalt  }
0x40: {  	_ =	shalt  }
0x41: {  	_ =	shalt  }
0x42: {  	_ =	shalt  }
0x43: {  	_ =	shalt  }
0x44: {  	_ =	shalt  }
0x45: {  	_ =	shalt  }
0x46: {  	_ =	shalt  }
0x47: {  	_ =	shalt  }
0x48: {  	_ =	shalt  }
0x49: {  	_ =	shalt  }
0x4a: {  	_ =	shalt  }
0x4b: {  	_ =	shalt  }
0x4c: {  	_ =	shalt  }
0x4d: {  	_ =	shalt  }
0x4e: {  	_ =	shalt  }
0x4f: {  	_ =	shalt  }
0x50: {  	_ =	shalt  }
0x51: {  	_ =	shalt  }
0x52: {  	_ =	shalt  }
0x53: {  	_ =	shalt  }
0x54: {  	_ =	shalt  }
0x55: {  	_ =	shalt  }
0x56: {  	_ =	shalt  }
0x57: {  	_ =	shalt  }
0x58: {  	_ =	shalt  }
0x59: {  	_ =	shalt  }
0x5a: {  	_ =	shalt  }
0x5b: {  	_ =	shalt  }
0x5c: {  	_ =	shalt  }
0x5d: {  	_ =	shalt  }
0x5e: {  	_ =	shalt  }
0x5f: {  	_ =	shalt  }
0x60: {  	_ =	shalt  }
0x61: {  	_ =	shalt  }
0x62: {  	_ =	shalt  }
0x63: {  	_ =	shalt  }
0x64: {  	_ =	shalt  }
0x65: {  	_ =	shalt  }
0x66: {  	_ =	shalt  }
0x67: {  	_ =	shalt  }
0x68: {  	_ =	shalt  }
0x69: {  	_ =	shalt  }
0x6a: {  	_ =	shalt  }
0x6b: {  	_ =	shalt  }
0x6c: {  	_ =	shalt  }
0x6d: {  	_ =	shalt  }
0x6e: {  	_ =	shalt  }
0x6f: {  	_ =	shalt  }
0x70: {  	_ =	shalt  }
0x71: {  	_ =	shalt  }
0x72: {  	_ =	shalt  }
0x73: {  	_ =	shalt  }
0x74: {  	_ =	shalt  }
0x75: {  	_ =	shalt  }
0x76: {  	_ =	shalt  }
0x77: {  	_ =	shalt  }
0x78: {  	_ =	shalt  }
0x79: {  	_ =	shalt  }
0x7a: {  	_ =	shalt  }
0x7b: {  	_ =	shalt  }
0x7c: {  	_ =	shalt  }
0x7d: {  	_ =	shalt  }
0x7e: {  	_ =	shalt  }
0x7f: {  	_ =	shalt  }
0x80: {  	_ =	shalt  }
0x81: {  	_ =	shalt  }
0x82: {  	_ =	shalt  }
0x83: {  	_ =	shalt  }
0x84: {  	_ =	shalt  }
0x85: {  	_ =	shalt  }
0x86: {  	_ =	shalt  }
0x87: {  	_ =	shalt  }
.Lfunc_end0:
.L_simem_size_0:
called_computation.1_lowered:
.L_overlay_start_0:
0x88: {  	s2 =	sld [smem:$0x3FD9]  }
0x89: {  	s3 =	sld [smem:$0x3FFE];
	_ =	sdelay $0x1  }
0x8a: {  	s1 =	srdreg.scid  }
0x8b: {  	s0 =	sand.u32 $0x1, s1  }
0x8c: {  	s16 =	sshll.u32 s0, $0xA;
	s2 =	sadd.s32 s3, s2  }
0x8d: {  	s2 =	sadd.s32 s2, s16  }
0x8e: {  	[smem:$0x3FC4] =	sst s2  }
0x8f: {  	_ = 	snop  }
0x90: {  	s2 =	sld [smem:$0x3FD0];
	(tm) =	ssettm $0x1  }
0x91: {  	s17 =	sld [smem:$0x3FFB];
	_ =	sdelay $0x3  }
0x92: {  	_ =	strace s17  }
0x93: {  	s3 =	sld [smem:$0x3FFC];
	_ =	sdelay $0x3  }
0x94: {  	_ =	strace s3  }
0x95: {  	s3 =	sld [smem:$0x3FFD];
	_ =	sdelay $0x3  }
0x96: {  	_ =	strace s3  }
0x97: {  	_ =	strace $0x8FFFFFFF  }
0x98: {  	s18 =	sld [smem:$0x3FDB];
	_ =	sdelay $0x1  }
0x99: {  	s4 =	simm.s32 $_scs_section_size  }
0x9a: {  	s5 =	simm.s32 $_size__tile_overlayer_lowered;
	s6 =	simm.s32 $_tile_overlayer_lowered  }
0x9b: {  	s21 =	simm.s32 $0x1BFF;
	s20 =	sshll.u32 s6, $0x1;
	s3 =	sadd.s32 s4, s18  }
0x9c: {  	s7 =	simm.s32 $0x0;
	s19 =	sshll.u32 s5, $0x1;
	s5 =	sadd.s32 s20, s3  }
0x9d: {  	[timem:s7], [sflag:s21] =	dma.local [hbm:s5], s19  }
0x9e: {  	_ =	swait.ge [sflag:s21], s19  }
0x9f: {  	s4 =	ssub.s32 $0x0, s19;
	[sflag:s21] =	ssyncset.done $0x0  }
0xa0: {  	[sflag:s21] =	ssyncadd.s32 s4;
	_ =	sdelay $0x1  }
0xa1: {  	s22 =	simm.s32 $0x1B8B  }
0xa2: {  	_ =	swait.ge [sflag:s22], $0x1  }
0xa3: {  	[sflag:s22] =	ssyncset.done $0x0  }
0xa4: {  	s23 =	sld [smem:$0x3FFE];
	[sflag:s22] =	ssyncadd.s32 $0xFFFFFFFF  }
0xa5: {  	s25 =	simm.s32 $0x1B8E;
	s24 =	sld [smem:$0x0]  }
0xa6: {  	s26 =	simm.s32 $execute0_lowered;
	[smem:$0x3FD2] =	sst s25  }
0xa7: {  	s6 =	sshll.u32 s26, $0x1;
	_ =	strace $0x80000049;
	[dreg:$0x1] =	wrdreg $0xFFFFFFFF  }
0xa8: {  	s28 =	simm.s32 $_size_execute0_lowered;
	s3 =	sadd.s32 s3, s6;
	[dreg:$0x0] =	wrdreg $0x0  }
0xa9: {  	s6 =	sshll.u32 s28, $0x1;
	[dreg:$0x2] =	wrdreg s3  }
0xaa: {  	[dreg:$0x3] =	wrdreg s6  }
0xab: {  	[dreg:$0x4] =	wrdreg $0xC0  }
0xac: {  	_ =	task [dreg:s7], $0x5FFFF  }
0xad: {  	[dreg:$0x1] =	wrdreg $0xFFFFFFFF  }
0xae: {  	[dreg:$0x0] =	wrdreg $0x60  }
0xaf: {  	[dreg:$0x2] =	wrdreg s2  }
0xb0: {  	[dreg:$0x3] =	wrdreg s23  }
0xb1: {  	[dreg:$0x4] =	wrdreg s1  }
0xb2: {  	[dreg:$0x5] =	wrdreg s24  }
0xb3: {  	[dreg:$0x6] =	wrdreg $0x9  }
0xb4: {  	_ =	task.clear_ibuf [dreg:s7], $0x7FFFF;
	_ =	strace $0x90000049  }
0xb5: {  	s29 =	simm.s32 $0x9;
	_ =	strace $0x8000004B  }
0xb6: {  	_ =	swait.ge [sflag:s29], $0x1  }
0xb7: {  	[sflag:s29] =	ssyncadd.s32 $0xFFFFFFFF  }
0xb8: {  	_ =	strace $0x9000004B  }
0xb9: {  	_ =	sfence  }
0xba: {  	s30 =	sld [smem:$0x0];
	_ =	sdelay $0x2  }
0xbb: {  	s31 =	sshll.u32 s1, $0xD;
	s1 =	sshrl.u32 s1, $0x2  }
0xbc: {  	s3 =	sand.u32 $0x4000, s31;
	s1 =	sadd.s32 s1, s30  }
0xbd: {  	s0 =	sor.u32 s3, s0;
	s1 =	sshll.u32 s1, $0x11  }
0xbe: {  	s0 =	sor.u32 s1, s0  }
0xbf: {  	s0 =	sadd.s32 $0x8F2B, s0  }
0xc0: {  	[sflag:s0] =	ssyncadd.remote.s32 $0x1  }
0xc1: {  	_ =	sfence.sel $0xFFFF  }
0xc2: {  	[dreg:$0x0] =	wrdreg $0xFFFFFFFF;
	(pc) =	sbr.abs _section_cstart, $3  }
0xc3: {  	[dreg:$0x1] =	wrdreg $0xFFFFFFFF  }
0xc4: {  	_ =	task.clear_ibuf [dreg:s7], $0x2FFFF;
	_ =	strace $0x9FFFFFFF  }
0xc5: {  	(tm) =	ssettm $0x7FFFFFFF  }
tec
execute0_lowered:
.L_overlay_start_1:
0x0: {  	(tag) =	ssettag $0x1  }
0x1: {  	s1 =	rddreg [dreg:$0x0]  }
0x2: {  	s2 =	rddreg [dreg:$0x1]  }
0x3: {  	s3 =	rddreg [dreg:$0x2];
	_ =	strace $0x8000004A;
	s0 =	simm.s32 $0x1  }
0x4: {  	v0 =	vimm.s32 $0x0;
	[sflag:s0] =	ssyncpa.u1 $0x0;
	s0 =	simm.s32 $0x108  }
0x5: {  	[tilespmem:s0+$0x70] =	vst v0  }
0x6: {  	[tilespmem:s0+$0x60] =	vst v0  }
0x7: {  	[tilespmem:s0+$0x50] =	vst v0  }
0x8: {  	[tilespmem:s0+$0x40] =	vst v0  }
0x9: {  	[tilespmem:s0+$0x30] =	vst v0  }
0xa: {  	s15 =	sadd.s32 $0x1E000, s2;
	s6 =	sadd.s32 $0x80000, s2;
	[tilespmem:s0+$0x20] =	vst v0  }
0xb: {  	s14 =	sadd.s32 $0x27E00, s2;
	s5 =	sand.u32 $0x1, s3;
	s3 =	simm.s32 $0x40;
	[tilespmem:s0+$0x10] =	vst v0  }
.LBB2_1:
0xc: {  	s3 =	sadd.s32 $0x40, s3;
	[tilespmem:s0+$0x0] =	vst v0;
	s0 =	sadd.s32 $0x80, s0  }
0xd: {  	p0 =	slt.u32 s3, $0x3C40;
	[tilespmem:s0+$0x70] =	vst v0  }
0xe: {  	[tilespmem:s0+$0x60] =	vst v0  }
.Ltmp0:
0xf: {  	[tilespmem:s0+$0x50] =	vst v0;
	(pc) =	sbr.rel @p0 .LBB2_1-.Ltmp0, $4  }
0x10: {  	[tilespmem:s0+$0x40] =	vst v0  }
0x11: {  	[tilespmem:s0+$0x30] =	vst v0  }
0x12: {  	[tilespmem:s0+$0x20] =	vst v0  }
0x13: {  	[tilespmem:s0+$0x10] =	vst v0  }
0x14: {  	s9 =	stileid.u32  }
0x15: {  	s2 =	smul.u32 $0x29, s9  }
0x16: {  	s3 =	smin.u32 s9, $0xB  }
0x17: {  	s2 =	sadd.s32 s3, s2  }
0x18: {  	p0 =	slt.u32 s9, $0xB;
	s7 =	smul.u32 $0xF0, s2;
	s2 =	simm.s32 $0x2760  }
0x19: {  	s2 =	simm.s32 @!p0 $0x2670  }
0x1a: {  	s2 =	sadd.s32 s2, s7  }
0x1b: {  	s8 =	smin.u32 s2, $0x27100  }
0x1c: {  	s2 =	ssub.s32 s8, s7  }
0x1d: {  	p0 =	sgt.s32 s2, $0x0  }
0x1e: {  	s29 =	simm.s32 $0x2;
	s10 =	simm.s32 $0x9;
	s2 =	simm.s32 @!p0 $0x0  }
0x1f: {  	s4 =	simm.s32 $0xA;
	s11 =	simm.s32 $0xB;
	s28 =	smulhi.u32 $0x88888889, s2  }
0x20: {  	[dreg:$0x5] =	wrdreg s5;
	s31 =	smul.u32 $0x4E20, s5;
	s12 =	simm.s32 $0x1  }
0x21: {  	s22 =	simm.s32 $0x0;
	s18 =	simm.s32 $0xC;
	s30 =	sshrl.u32 s28, $0x7  }
0x22: {  	s20 =	simm.s32 $0x0;
	s21 =	simm.s32 $0x0;
	s3 =	smul.u32 $0xF0, s30  }
.Ltmp1:
0x23: {  	[tilespmem:s0+$0x0] =	vst v0;
	v0 =	vimm.s32 $0xFFFFFFFF;
	[sflag:s29] =	ssyncpa.u1 $0x0;
	s16 =	sshll.u32 s9, $0x8;
	(pc) =	sbr.rel .LBB2_3-.Ltmp1, $4  }
0x24: {  	[tilespmem:$0xF208] =	vst v0;
	[sflag:s10] =	ssyncpa.u1 $0x0;
	p0 =	sne.s32 s2, s3;
	s2 =	simm.s32 $0x1  }
0x25: {  	s14 =	sadd.s32 s31, s14;
	[sflag:s4] =	ssyncpa.u1 $0x0;
	s2 =	simm.s32 @!p0 $0x0  }
0x26: {  	s15 =	sadd.s32 s31, s15;
	[sflag:s11] =	ssyncpa.u1 $0x0;
	s13 =	sadd.s32 s2, s30  }
0x27: {  	v0 =	vlaneseq.u32;
	s19 =	smov.u32 s7;
	p0 =	por $0x0, $0x0;
	s17 =	sadd.s32 $0x1, s13  }
.LBB2_18:
0x28: {  	s0 =	sshrl.u32 s31, $0x2  }
.LBB2_20:
0x29: {  	_ =	swait.ge [sflag:s18], s0  }
0x2a: {  	s31 =	ssub.s32 $0x0, s0;
	v1 =	vmov s24;
	vm0 =	veq.s32 v0, $0x0;
	[sflag:s18] =	ssyncset.done $0x0  }
0x2b: {  	vm15 =	veq.s32 v0, $0x2;
	v1 =	vsel vm0, s30, v1;
	[sflag:s18] =	ssyncadd.s32 s31  }
0x2c: {  	v1 =	vsel vm15, s22, v1;
	[sflag:s18] =	ssyncpa.u1 $0x1  }
0x2d: {  	[tilespmem:$0xF208] =	vst v1  }
.LBB2_21:
0x2e: {  	s0 =	sadd.s32 $0xF0, s19  }
0x2f: {  	s2 =	smov.u32 s7;
	p1 =	slt.s32 s0, s8  }
0x30: {  	s2 =	smov.u32 @p1 s0;
	p1 =	sne.s32 s21, s17  }
.Ltmp2:
0x31: {  	_ = 	snop;
	(pc) =	sbr.rel @!p1 .LBB2_22-.Ltmp2, $3  }
0x32: {  	_ =	sdelay $0x1  }
0x33: {  	s22 =	smov.u32 s20;
	s31 =	sadd.s32 $0x1, s21;
	s20 =	smov.u32 s19  }
0x34: {  	p0 =	por !p0, !p0;
	s21 =	smov.u32 s31;
	s19 =	smov.u32 s2  }
.LBB2_3:
0x35: {  	p1 =	sge.u32 s21, s13  }
0x36: {  	s0 =	smulhi.u32 @!p1 $0xAAAAAAAB, s21  }
0x37: {  	s2 =	smov.u32 s19;
	p2 =	sgt.s32 @!p1 s19, $0x27010  }
0x38: {  	s3 =	sshra.s32 @!p1 s19, $0x1F;
	p2 =	por !p2, p1;
	s0 =	sshrl.u32 @!p1 s0, $0x1  }
0x39: {  	s3 =	sand.u32 @!p1 s3, s19;
	s2 =	simm.s32 @p2 $0x27010;
	s0 =	smul.u32 @!p1 $0x3, s0  }
0x3a: {  	s2 =	ssub.s32 @!p1 s2, s3  }
0x3b: {  	s2 =	sadd.s32 @!p1 $0xFFFD8FF0, s2;
	s0 =	ssub.s32 @!p1 s21, s0  }
0x3c: {  	s3 =	sshll.u32 @!p1 s2, $0x2;
	p2 =	sgt.s32 @!p1 s2, $0xEF;
	s0 =	smul.u32 @!p1 $0x3C0, s0  }
0x3d: {  	s4 =	sand.u32 @!p1 $0x7, s19;
	s2 =	ssub.s32 @!p1 $0x3C0, s3;
	p2 =	por !p2, p1  }
0x3e: {  	s3 =	sshrl.u32 @!p1 s19, $0x3;
	s2 =	sshrl.u32 @!p1 s2, $0x2;
	s0 =	sshrl.u32 @!p1 s0, $0x2  }
0x3f: {  	s3 =	sadd.s32 @!p1 s3, s14;
	s2 =	simm.s32 @!p2 $0x0;
	s0 =	sadd.s32 @!p1 $0x10248, s0  }
0x40: {  	[tilespmem:s0], [sflag:$0xA] =	stream.linear.gather @!p1 [hbm4b:s3+s4], s2, $0x38;
	[tilespmem:$0x1F6F8] =	vst v63  }
0x41: {  	s0 =	sadd.s32 $0xFFFFFFFF, s21  }
0x42: {  	p1 =	sge.u32 s0, s13  }
0x43: {  	p2 =	sgt.s32 @!p1 s20, $0x27010  }
0x44: {  	s2 =	smov.u32 s20;
	s3 =	sshra.s32 @!p1 s20, $0x1F;
	p2 =	por !p2, p1  }
0x45: {  	s3 =	sand.u32 @!p1 s3, s20;
	s2 =	simm.s32 @p2 $0x27010  }
0x46: {  	s2 =	ssub.s32 @!p1 s2, s3  }
0x47: {  	s2 =	sadd.s32 @!p1 $0xFFFD8FF0, s2  }
0x48: {  	s4 =	sand.u32 @!p1 $0x1, s0;
	s3 =	sshll.u32 @!p1 s2, $0x2  }
0x49: {  	p2 =	sgt.s32 @!p1 s2, $0xEF;
	s2 =	ssub.s32 @!p1 $0x3C0, s3;
	s3 =	smulhi.u32 @!p1 $0xAAAAAAAB, s0  }
0x4a: {  	s23 =	smul.u32 @!p1 $0x3C0, s4;
	p2 =	por !p2, p1;
	s2 =	sshrl.u32 @!p1 s2, $0x2  }
0x4b: {  	s5 =	simm.s32 @!p1 $0xA;
	s2 =	simm.s32 @!p2 $0x0;
	s3 =	sshrl.u32 @!p1 s3, $0x1  }
0x4c: {  	s23 =	sshrl.u32 @!p1 s23, $0x2;
	_ =	swait.ge @!p1 [sflag:s5], s2;
	s3 =	smul.u32 @!p1 $0x3, s3  }
0x4d: {  	s23 =	sadd.s32 @!p1 $0x10518, s23;
	s24 =	ssub.s32 @!p1 $0x0, s2;
	[sflag:s5] =	ssyncset.done @!p1 $0x0  }
0x4e: {  	[sflag:s5] =	ssyncadd.s32 @!p1 s24;
	s5 =	sshrl.u32 @!p1 s20, $0x3;
	s0 =	ssub.s32 @!p1 s0, s3  }
0x4f: {  	s24 =	sand.u32 @!p1 $0x7, s20;
	s5 =	sadd.s32 @!p1 s5, s15;
	s0 =	smul.u32 @!p1 $0x3C0, s0  }
0x50: {  	[tilespmem:s23], [sflag:$0xB] =	stream.linear.gather @!p1 [hbm4b:s5+s24], s2, $0x38;
	[tilespmem:$0x1F6F8] =	vst v63  }
0x51: {  	s3 =	ssub.s32 @!p1 $0x27100, s20;
	s2 =	smul.u32 @!p1 $0x1E000, s4  }
0x52: {  	p2 =	slt.s32 @!p1 s3, $0xF0  }
0x53: {  	p2 =	por !p2, p1;
	s0 =	sshrl.u32 @!p1 s0, $0x2;
	s2 =	sshrl.u32 @!p1 s2, $0x2  }
0x54: {  	s3 =	simm.s32 @p2 $0xF0;
	s0 =	sadd.s32 @!p1 $0x10248, s0;
	s2 =	sor.u32 @!p1 $0x106F8, s2  }
0x55: {  	[tilespmem:s2], [sflag:$0x9] =	stream.indirect.gather @!p1 [hbm4b:s6+s3], $0x80, s0, s3, $0xb8;
	[tilespmem:$0x1F6F8] =	vst v63  }
0x56: {  	p1 =	slt.u32 s21, $0x2  }
.Ltmp3:
0x57: {  	_ = 	snop;
	(pc) =	sbr.rel @p1 .LBB2_21-.Ltmp3, $1  }
0x58: {  	_ =	sdelay $0x3  }
0x59: {  	p1 =	sgt.s32 s22, $0x27010  }
0x5a: {  	s0 =	smov.u32 s22;
	s2 =	sshra.s32 s22, $0x1F;
	s3 =	ssub.s32 $0x27100, s22  }
0x5b: {  	s0 =	simm.s32 @!p1 $0x27010;
	s2 =	sand.u32 s2, s22;
	p1 =	slt.s32 s3, $0xF0  }
0x5c: {  	s0 =	ssub.s32 s0, s2;
	s3 =	simm.s32 @!p1 $0xF0  }
0x5d: {  	s0 =	sadd.s32 $0xFFFD8FF0, s0;
	s25 =	sshll.u32 s3, $0x7  }
0x5e: {  	s26 =	sshll.u32 s0, $0x2;
	s2 =	sand.u32 $0x3FFFFF80, s25  }
0x5f: {  	p1 =	sgt.s32 s0, $0xEF;
	s29 =	ssub.s32 $0x3C0, s26;
	_ =	swait.ge [sflag:s10], s2  }
0x60: {  	s2 =	ssub.s32 $0x0, s2;
	[sflag:s10] =	ssyncset.done $0x0;
	s0 =	sshrl.u32 s29, $0x2  }
0x61: {  	[sflag:s10] =	ssyncadd.s32 s2;
	s0 =	simm.s32 @p1 $0x0  }
0x62: {  	_ =	swait.ge [sflag:s11], s0  }
0x63: {  	s0 =	ssub.s32 $0x0, s0;
	[sflag:s11] =	ssyncset.done $0x0  }
0x64: {  	[sflag:s11] =	ssyncadd.s32 s0  }
0x65: {  	v1 =	vld [tilespmem:$0xF208];
	_ =	sdelay $0x4  }
0x66: {  	(v2sf) =	vpush v1, $0x0  }
0x67: {  	(v2sf) =	vpush v1, $0x1  }
0x68: {  	(v2sf) =	vpush v1, $0x2;
	_ =	sdelay $0x3  }
0x69: {  	s0 =	sadd.s32 $0xF0, s22  }
0x6a: {  	s2 =	ssub.s32 $0x4E200, s22;
	p1 =	slt.s32 s8, s0  }
0x6b: {  	s0 =	smov.u32 @p1 s8;
	p1 =	sgt.s32 s2, $0x0  }
0x6c: {  	s26 =	ssub.s32 s0, s22;
	s2 =	simm.s32 @!p1 $0x0  }
0x6d: {  	p1 =	slt.s32 s2, s26  }
0x6e: {  	s26 =	smov.u32 @p1 s2  }
0x6f: {  	s25 =	simm.s32 $0x1;
	p1 =	slt.s32 s26, $0x1  }
.Ltmp4:
0x70: {  	s25 =	simm.s32 @!p0 $0x0;
	(pc) =	sbr.rel @p1 .LBB2_8-.Ltmp4, $4  }
0x71: {  	s31 =	smul.u32 $0x3C0, s25  }
0x72: {  	s28 =	spop (v2sf)  }
0x73: {  	s0 =	sshrl.u32 s31, $0x2;
	s30 =	spop (v2sf)  }
0x74: {  	s23 =	sadd.s32 $0x10518, s0;
	s22 =	spop (v2sf)  }
0x75: {  	s0 =	smin.u32 s26, $0x10  }
0x76: {  	v1 =	vmov s0  }
0x77: {  	p2 =	sgt.s32 s26, $0x10;
	vm1 =	vgt.u32 v1, v0  }
.Ltmp5:
0x78: {  	_ = 	snop;
	(pc) =	sbr.rel @!p2 .LBB2_7-.Ltmp5, $2  }
0x79: {  	_ =	sdelay $0x2  }
0x7a: {  	s4 =	simm.s32 $0x10;
	s24 =	sadd.s32 $0xFFFFFFF0, s26;
	s0 =	smov.u32 s23;
	vm0 =	vmmov vm1  }
.LBB2_6:
0x7b: {  	s2 =	smin.u32 s24, $0x10;
	s4 =	sadd.s32 $0x10, s4;
	v1 =	vld.msk [tilespmem:s0+$0x0 ss:$0x1], vm1  }
0x7c: {  	v2 =	vmov s2;
	p2 =	slt.s32 s4, s26  }
0x7d: {  	vm1 =	vgt.u32 v2, v0  }
.Ltmp6:
0x7e: {  	(pc) =	sbr.rel @p2 .LBB2_6-.Ltmp6, $3  }
0x7f: {  	_ =	sdelay $0x1  }
0x80: {  	v1 =	vshll.u32 v1, $0x4  }
0x81: {  	s24 =	sadd.s32 $0xFFFFFFF0, s24;
	[tilespmem:s0+$0x0] =	vst.msk vm0, v1;
	s0 =	sadd.s32 $0x10, s0;
	vm0 =	vmmov vm1  }
.LBB2_7:
0x82: {  	_ =	sdelay $0x4  }
0x83: {  	v1 =	vld.msk [tilespmem:s0+$0x0 ss:$0x1], vm1;
	_ =	sdelay $0x4  }
0x84: {  	v1 =	vshll.u32 v1, $0x4  }
0x85: {  	[tilespmem:s0+$0x0] =	vst.msk vm0, v1  }
.LBB2_8:
0x86: {  	s0 =	sand.u32 $0x1, s21  }
0x87: {  	s0 =	smul.u32 $0xF0, s0  }
0x88: {  	p2 =	sne.s32 s30, $0xFFFFFFFF  }
0x89: {  	v1 =	vld.msk @!p2 [tilespmem:s0+$0x10518], $0x1;
	_ =	sdelay $0x4  }
0x8a: {  	(v2sf) =	vpush @!p2 v1, $0x0;
	_ =	sdelay $0xc  }
.Ltmp7:
0x8b: {  	_ = 	snop;
	(pc) =	sbr.rel @p1 .LBB2_19-.Ltmp7, $4  }
0x8c: {  	_ = 	snop  }
0x8d: {  	s29 =	spop @!p2 (v2sf)  }
0x8e: {  	s22 =	simm.s32 @!p2 $0x0;
	s24 =	smov.u32 s29  }
0x8f: {  	[sflag:s18] =	ssyncpa.u1 $0x0;
	s29 =	smov.u32 @p2 s28;
	s24 =	smov.u32 @p2 s30  }
0x90: {  	v1 =	vld.msk [tilespmem:s23+$0x0], $0x1;
	_ =	sdelay $0x4  }
0x91: {  	(v2sf) =	vpush v1, $0x0;
	_ =	sdelay $0xe  }
0x92: {  	s2 =	smul.u32 $0x1E000, s25;
	s0 =	spop (v2sf)  }
0x93: {  	s26 =	ssub.s32 $0x0, s26;
	p1 =	seq.s32 s29, s0  }
0x94: {  	s30 =	sadd.s32 $0x1, s26;
	s2 =	sshrl.u32 s2, $0x2;
	p2 =	sgt.s32 @!p1 s29, $0x0  }
0x95: {  	s25 =	sor.u32 $0x10738, s2;
	s2 =	smov.u32 s29;
	p2 =	por !p2, p1  }
0x96: {  	s2 =	simm.s32 @p2 $0x0;
	p2 =	seq.s32 s30, $0x0  }
.Ltmp8:
0x97: {  	_ = 	snop;
	(pc) =	sbr.rel @p2 .LBB2_11-.Ltmp8, $4  }
0x98: {  	_ = 	snop  }
0x99: {  	s28 =	simm.s32 $0x0;
	s31 =	sadd.s32 $0x1, s23;
	s2 =	smin.u32 @!p1 s2, $0x270F0  }
0x9a: {  	s4 =	simm.s32 @!p1 $0x1;
	s5 =	simm.s32 @!p1 $0x7988;
	s3 =	sand.u32 @!p1 $0x3FFF8, s2  }
0x9b: {  	s4 =	smov.u32 @p1 s28;
	s2 =	sand.u32 @!p1 $0x7, s2;
	s3 =	sadd.s32 @!p1 s1, s3  }
.LBB2_10:
0x9c: {  	s9 =	smov.u32 s4  }
0x9d: {  	[tilespmem:s5], [sflag:$0x2] =	stream.linear.gather @!p1 [hbm4b:s3+s2], $0x80, $0x38;
	[tilespmem:$0x1F6F8] =	vst v63  }
0x9e: {  	s30 =	sadd.s32 $0x1, s30;
	s2 =	smov.u32 s0;
	v1 =	vld.msk [tilespmem:s31+$0x0], $0x1  }
0x9f: {  	p2 =	seq.s32 s30, $0x0;
	_ =	sdelay $0x3  }
0xa0: {  	(v2sf) =	vpush v1, $0x0;
	_ =	sdelay $0xe  }
0xa1: {  	s0 =	spop (v2sf)  }
0xa2: {  	p1 =	seq.s32 s2, s0  }
0xa3: {  	p3 =	sgt.s32 @!p1 s2, $0x0;
	s3 =	sshll.u32 @!p1 s4, $0x9;
	s4 =	sadd.s32 @!p1 $0x1, s4  }
.Ltmp9:
0xa4: {  	p3 =	por !p3, p1;
	s3 =	sshra.s32 @!p1 s3, $0x2;
	(pc) =	sbr.rel @!p2 .LBB2_10-.Ltmp9, $4  }
0xa5: {  	s4 =	smov.u32 @p1 s9;
	s2 =	simm.s32 @p3 $0x0;
	s5 =	sadd.s32 @!p1 $0x7988, s3  }
0xa6: {  	s2 =	smin.u32 @!p1 s2, $0x270F0  }
0xa7: {  	s3 =	sand.u32 @!p1 $0x3FFF8, s2;
	s2 =	sand.u32 @!p1 $0x7, s2  }
0xa8: {  	s31 =	sadd.s32 $0x1, s31;
	s3 =	sadd.s32 @!p1 s1, s3  }
.LBB2_11:
0xa9: {  	[tilespmem:s5], [sflag:$0x2] =	stream.linear.gather @!p1 [hbm4b:s3+s2], $0x80, $0x38;
	[tilespmem:$0x1F6F8] =	vst v63  }
.Ltmp10:
0xaa: {  	s0 =	sshll.u32 s4, $0x7;
	(pc) =	sbr.rel .LBB2_12-.Ltmp10, $4  }
0xab: {  	s30 =	simm.s32 $0x2;
	s0 =	sand.u32 $0x3FFFFF80, s0  }
0xac: {  	_ =	swait.ge [sflag:s30], s0  }
0xad: {  	s0 =	ssub.s32 $0x0, s0;
	[sflag:s30] =	ssyncset.done $0x0  }
0xae: {  	s31 =	simm.s32 $0x0;
	[sflag:s30] =	ssyncadd.s32 s0  }
.LBB2_13:
0xaf: {  	v1 =	vld [tilespmem:s25+$0xFFFFFFC0];
	_ =	sdelay $0x3  }
0xb0: {  	s0 =	sshra.s32 s0, $0x2  }
0xb1: {  	[tilespmem:s0+$0x108] =	vst.add.f32.msk $0xffff, v1  }
0xb2: {  	v1 =	vld [tilespmem:s25+$0xFFFFFFD0];
	_ =	sdelay $0x4  }
0xb3: {  	[tilespmem:s0+$0x118] =	vst.add.f32.msk $0xffff, v1  }
0xb4: {  	v1 =	vld [tilespmem:s25+$0xFFFFFFE0];
	_ =	sdelay $0x4  }
0xb5: {  	[tilespmem:s0+$0x128] =	vst.add.f32.msk $0xffff, v1  }
0xb6: {  	v1 =	vld [tilespmem:s25+$0xFFFFFFF0];
	_ =	sdelay $0x4  }
0xb7: {  	[tilespmem:s0+$0x138] =	vst.add.f32.msk $0xffff, v1  }
0xb8: {  	v1 =	vld [tilespmem:s25+$0x0];
	_ =	sdelay $0x4  }
0xb9: {  	[tilespmem:s0+$0x148] =	vst.add.f32.msk $0xffff, v1  }
0xba: {  	v1 =	vld [tilespmem:s25+$0x10];
	_ =	sdelay $0x4  }
0xbb: {  	[tilespmem:s0+$0x158] =	vst.add.f32.msk $0xffff, v1  }
0xbc: {  	v1 =	vld [tilespmem:s25+$0x20];
	_ =	sdelay $0x4  }
0xbd: {  	[tilespmem:s0+$0x168] =	vst.add.f32.msk $0xffff, v1  }
0xbe: {  	v1 =	vld [tilespmem:s25+$0x30];
	_ =	sdelay $0x4  }
0xbf: {  	[tilespmem:s0+$0x178] =	vst.add.f32.msk $0xffff, v1  }
.LBB2_17:
0xc0: {  	s26 =	sadd.s32 $0x1, s26  }
0xc1: {  	p1 =	seq.s32 s26, $0x0  }
.Ltmp11:
0xc2: {  	_ = 	snop;
	(pc) =	sbr.rel @p1 .LBB2_18-.Ltmp11, $2  }
0xc3: {  	_ =	sdelay $0x2  }
0xc4: {  	s23 =	sadd.s32 $0x1, s23;
	s25 =	sadd.s32 $0x80, s25;
	s29 =	smov.u32 s30  }
.LBB2_12:
0xc5: {  	v1 =	vld.msk [tilespmem:s23+$0x0], $0x1;
	_ =	sdelay $0x4  }
0xc6: {  	(v2sf) =	vpush v1, $0x0;
	_ =	sdelay $0xe  }
0xc7: {  	s30 =	spop (v2sf)  }
0xc8: {  	p1 =	sne.s32 s29, s30  }
.Ltmp12:
0xc9: {  	_ = 	snop;
	(pc) =	sbr.rel @!p1 .LBB2_13-.Ltmp12, $2  }
0xca: {  	_ =	sdelay $0x2  }
0xcb: {  	s0 =	sshll.u32 s22, $0x9  }
0xcc: {  	p1 =	seq.s32 s29, s24  }
.Ltmp13:
0xcd: {  	_ = 	snop;
	(pc) =	sbr.rel @!p1 .LBB2_15-.Ltmp13, $1  }
0xce: {  	_ =	sdelay $0x3  }
0xcf: {  	s0 =	sshra.s32 s0, $0x2  }
.Ltmp14:
0xd0: {  	s0 =	sadd.s32 $0x108, s0;
	(pc) =	sbr.rel .LBB2_16-.Ltmp14, $4  }
0xd1: {  	[spmem:s16] =	stream.linear.scatter [tilespmem:s0], [sflag:$0x1], $0x80, $0x38;
	[tilespmem:$0x1F6F8] =	vst v63  }
0xd2: {  	_ =	swait.ge [sflag:s12], $0x80  }
0xd3: {  	[sflag:s12] =	ssyncset.done $0x0  }
0xd4: {  	[sflag:s12] =	ssyncadd.s32 $0xFFFFFF80  }
.LBB2_15:
0xd5: {  	s2 =	sshll.u32 s28, $0x9  }
0xd6: {  	s2 =	sshra.s32 s2, $0x2  }
0xd7: {  	v1 =	vld [tilespmem:s2+$0x7988];
	_ =	sdelay $0x3  }
0xd8: {  	s0 =	sshra.s32 s0, $0x2  }
0xd9: {  	[tilespmem:s0+$0x108] =	vst.add.f32.msk $0xffff, v1  }
0xda: {  	v1 =	vld [tilespmem:s2+$0x7998];
	_ =	sdelay $0x4  }
0xdb: {  	[tilespmem:s0+$0x118] =	vst.add.f32.msk $0xffff, v1  }
0xdc: {  	v1 =	vld [tilespmem:s2+$0x79A8];
	_ =	sdelay $0x4  }
0xdd: {  	[tilespmem:s0+$0x128] =	vst.add.f32.msk $0xffff, v1  }
0xde: {  	v1 =	vld [tilespmem:s2+$0x79B8];
	_ =	sdelay $0x4  }
0xdf: {  	[tilespmem:s0+$0x138] =	vst.add.f32.msk $0xffff, v1  }
0xe0: {  	v1 =	vld [tilespmem:s2+$0x79C8];
	_ =	sdelay $0x4  }
0xe1: {  	[tilespmem:s0+$0x148] =	vst.add.f32.msk $0xffff, v1  }
0xe2: {  	v1 =	vld [tilespmem:s2+$0x79D8];
	_ =	sdelay $0x4  }
0xe3: {  	[tilespmem:s0+$0x158] =	vst.add.f32.msk $0xffff, v1  }
0xe4: {  	v1 =	vld [tilespmem:s2+$0x79E8];
	_ =	sdelay $0x4  }
0xe5: {  	[tilespmem:s0+$0x168] =	vst.add.f32.msk $0xffff, v1  }
0xe6: {  	v1 =	vld [tilespmem:s2+$0x79F8];
	_ =	sdelay $0x2  }
0xe7: {  	p1 =	sgt.u32 s29, $0x270F0  }
0xe8: {  	s2 =	sand.u32 @!p1 $0x3FFF8, s29  }
0xe9: {  	s3 =	sadd.s32 $0x108, s0;
	[tilespmem:s0+$0x178] =	vst.add.f32.msk $0xffff, v1;
	s0 =	sadd.s32 @!p1 s1, s2;
	s2 =	sand.u32 @!p1 $0x7, s29  }
0xea: {  	[hbm4b:s0+s2] =	stream.linear.scatter @!p1 [tilespmem:s3], [sflag:$0xC], $0x80, $0x38;
	[tilespmem:$0x1F6F8] =	vst v63  }
0xeb: {  	s0 =	simm.s32 $0x0  }
0xec: {  	s0 =	simm.s32 @!p1 $0x200  }
0xed: {  	s31 =	sadd.s32 s0, s31  }
.LBB2_16:
0xee: {  	s0 =	sadd.s32 $0x1, s22  }
0xef: {  	s2 =	smulhi.u32 $0x88888889, s0;
	_ =	sdelay $0x1  }
0xf0: {  	v1 =	vld [tilespmem:s25+$0xFFFFFFC0];
	s2 =	sshrl.u32 s2, $0x7  }
0xf1: {  	s2 =	smul.u32 $0xF0, s2;
	_ =	sdelay $0x1  }
0xf2: {  	s22 =	ssub.s32 s0, s2  }
0xf3: {  	s0 =	sshll.u32 s22, $0x7  }
0xf4: {  	[tilespmem:s0+$0x108] =	vst v1  }
0xf5: {  	v1 =	vld [tilespmem:s25+$0xFFFFFFD0];
	_ =	sdelay $0x4  }
0xf6: {  	[tilespmem:s0+$0x118] =	vst v1  }
0xf7: {  	v1 =	vld [tilespmem:s25+$0xFFFFFFE0];
	_ =	sdelay $0x4  }
0xf8: {  	[tilespmem:s0+$0x128] =	vst v1  }
0xf9: {  	v1 =	vld [tilespmem:s25+$0xFFFFFFF0];
	_ =	sdelay $0x4  }
0xfa: {  	[tilespmem:s0+$0x138] =	vst v1  }
0xfb: {  	v1 =	vld [tilespmem:s25+$0x0];
	_ =	sdelay $0x4  }
0xfc: {  	[tilespmem:s0+$0x148] =	vst v1  }
0xfd: {  	v1 =	vld [tilespmem:s25+$0x10];
	_ =	sdelay $0x4  }
0xfe: {  	[tilespmem:s0+$0x158] =	vst v1  }
0xff: {  	v1 =	vld [tilespmem:s25+$0x20];
	_ =	sdelay $0x4  }
0x100: {  	[tilespmem:s0+$0x168] =	vst v1  }
0x101: {  	v1 =	vld [tilespmem:s25+$0x30]  }
.Ltmp15:
0x102: {  	_ = 	snop;
	(pc) =	sbr.rel .LBB2_17-.Ltmp15, $2  }
0x103: {  	_ =	sdelay $0x2  }
0x104: {  	s28 =	sadd.s32 $0x1, s28;
	[tilespmem:s0+$0x178] =	vst v1  }
.LBB2_19:
.Ltmp16:
0x105: {  	(pc) =	sbr.rel .LBB2_20-.Ltmp16, $4  }
0x106: {  	_ = 	snop  }
0x107: {  	s0 =	simm.s32 $0x2  }
0x108: {  	_ =	swait.ge [sflag:s0], $0x0  }
0x109: {  	s30 =	smov.u32 s29;
	[sflag:s0] =	ssyncset.done $0x0;
	s0 =	simm.s32 $0x0  }
.LBB2_22:
0x10a: {  	_ =	sfence.sel $0x180000  }
0x10b: {  	s0 =	simm.s32 $0x9;
	[bflag:$0x0] =	sbarrier.arrive $0xFFFF  }
0x10c: {  	s24 =	simm.s32 $0xA;
	[sflag:s0] =	ssyncpa.u1 $0x1  }
0x10d: {  	s25 =	simm.s32 $0xB;
	[sflag:s24] =	ssyncpa.u1 $0x1  }
0x10e: {  	s26 =	simm.s32 $0x2;
	[sflag:s25] =	ssyncpa.u1 $0x1  }
0x10f: {  	[sflag:s26] =	ssyncpa.u1 $0x1  }
0x110: {  	v0 =	vld [tilespmem:$0xF208];
	_ =	sdelay $0x4  }
0x111: {  	(v2sf) =	vpush v0, $0x0  }
0x112: {  	(v2sf) =	vpush v0, $0x1;
	_ =	sdelay $0x1  }
0x113: {  	(v2sf) =	vpush v0, $0x2;
	_ =	sdelay $0xb  }
0x114: {  	s0 =	spop (v2sf)  }
0x115: {  	s2 =	spop (v2sf)  }
0x116: {  	s3 =	smov.u32 s0;
	p0 =	sne.s32 s0, s2  }
0x117: {  	s4 =	spop (v2sf);
	s3 =	simm.s32 @!p0 $0xFFFFFFFF  }
0x118: {  	v2 =	vimm.s32 $0x1;
	v3 =	vlaneseq.u32;
	p0 =	seq.s32 s4, $0xFFFFFFFF;
	v1 =	vmov s3  }
0x119: {  	s16 =	stileid.u32;
	v0 =	vperm.xlane v0, v2;
	p1 =	sne.s32 @!p0 s0, s2;
	v1 =	vperm.xlane v1, v3  }
0x11a: {  	vm0 =	vcmask $0x3F04;
	s6 =	simm.s32 $0xF208;
	s0 =	simm.s32 @!p0 $0x1;
	p1 =	por !p1, p0  }
0x11b: {  	s3 =	sshll.u32 s16, $0x1;
	s2 =	sshll.u32 @!p0 s4, $0x9;
	s0 =	simm.s32 @p1 $0x0;
	v0 =	vsel vm0, v1, v0  }
0x11c: {  	s5 =	sor.u32 $0x1000, s3;
	s2 =	sshra.s32 @!p0 s2, $0x2;
	s0 =	sor.u32 @!p0 s0, s3;
	[tilespmem:$0xF208] =	vst v0  }
0x11d: {  	[spmem:s5] =	stream.linear.scatter [tilespmem:s6], [sflag:$0x1], $0x2, $0x38;
	[tilespmem:$0x1F6F8] =	vst v63  }
0x11e: {  	s2 =	sadd.s32 @!p0 $0x108, s2;
	s0 =	sshll.u32 @!p0 s0, $0x7  }
0x11f: {  	[spmem:s0] =	stream.linear.scatter @!p0 [tilespmem:s2], [sflag:$0x1], $0x80, $0x38;
	[tilespmem:$0x1F6F8] =	vst v63  }
0x120: {  	s0 =	simm.s32 @!p0 $0x82  }
0x121: {  	s28 =	simm.s32 $0x1;
	s0 =	simm.s32 @p0 $0x2  }
0x122: {  	_ =	swait.ge [sflag:s28], s0  }
0x123: {  	s0 =	ssub.s32 $0x0, s0;
	[sflag:s28] =	ssyncset.done $0x0  }
0x124: {  	p0 =	sne.s32 s16, $0x0;
	[sflag:s28] =	ssyncadd.s32 s0  }
.Ltmp17:
0x125: {  	_ =	sfence.stream.spmem;
	(pc) =	sbr.rel @p0 .LBB2_39-.Ltmp17, $4  }
0x126: {  	s29 =	simm.s32 $0x3;
	[bflag:$0x0] =	sbarrier.arrive $0xFFFF  }
0x127: {  	s30 =	simm.s32 $0x4;
	[sflag:s29] =	ssyncpa.u1 $0x1  }
0x128: {  	s31 =	simm.s32 $0x3C;
	[sflag:s30] =	ssyncpa.u1 $0x1  }
0x129: {  	s15 =	rddreg [dreg:$0x5];
	[sflag:s31] =	ssyncpa.u1 $0x1  }
0x12a: {  	_ =	sfence.stream.spmem;
	s0 =	simm.s32 $0x5  }
0x12b: {  	s2 =	simm.s32 $0x1000;
	s3 =	simm.s32 $0xF218;
	[sflag:s0] =	ssyncpa.u1 $0x0  }
0x12c: {  	[tilespmem:s3], [sflag:$0x5] =	stream.linear.gather [spmem:s2], $0x20, $0x38;
	[tilespmem:$0x1F6F8] =	vst v63  }
0x12d: {  	s26 =	simm.s32 $0x0;
	s28 =	simm.s32 $0xF238  }
0x12e: {  	[tilespmem:s28], [sflag:$0x5] =	stream.linear.gather [spmem:s26], $0x1000, $0x38;
	[tilespmem:$0x1F6F8] =	vst v63  }
0x12f: {  	_ =	swait.ge [sflag:s0], $0x1020  }
0x130: {  	[sflag:s0] =	ssyncset.done $0x0  }
0x131: {  	s29 =	simm.s32 $0x0;
	[sflag:s0] =	ssyncadd.s32 $0xFFFFEFE0  }
0x132: {  	v0 =	vld.msk [tilespmem:s29+$0xF218], $0x1;
	_ =	sdelay $0x1  }
0x133: {  	s30 =	simm.s32 $0x1  }
0x134: {  	v1 =	vld.msk [tilespmem:s30+$0xF218], $0x1;
	_ =	sdelay $0x1  }
0x135: {  	(v2sf) =	vpush v0, $0x0;
	_ =	sdelay $0x2  }
0x136: {  	(v2sf) =	vpush v1, $0x0;
	_ =	sdelay $0x2  }
0x137: {  	s31 =	simm.s32 $0x2  }
0x138: {  	v0 =	vld.msk [tilespmem:s31+$0xF218], $0x1;
	_ =	sdelay $0x2  }
0x139: {  	s4 =	simm.s32 $0xFFFFFFFF;
	s5 =	simm.s32 $0xFFFFFFFF;
	s0 =	simm.s32 $0xC  }
.LBB2_24:
0x13a: {  	s2 =	smov.u32 s5;
	s3 =	smov.u32 s4  }
0x13b: {  	s4 =	sshra.s32 s0, $0x2;
	p1 =	sne.s32 s0, $0x7C;
	s0 =	sadd.s32 $0x4, s0;
	(v2sf) =	vpush v0, $0x0  }
0x13c: {  	v0 =	vld.msk [tilespmem:s4+$0xF218], $0x1  }
.Ltmp18:
0x13d: {  	(pc) =	sbr.rel @p1 .LBB2_24-.Ltmp18, $4  }
0x13e: {  	s5 =	spop (v2sf)  }
0x13f: {  	p2 =	sne.s32 s3, $0xFFFFFFFF;
	s4 =	smov.u32 s5  }
0x140: {  	p3 =	seq.s32 s5, $0xFFFFFFFF;
	s4 =	smov.u32 @p2 s3  }
0x141: {  	s5 =	smov.u32 @p3 s2;
	s4 =	smov.u32 @p3 s3  }
0x142: {  	(v2sf) =	vpush v0, $0x0;
	_ =	sdelay $0x8  }
0x143: {  	s0 =	spop (v2sf)  }
0x144: {  	p1 =	sne.s32 s4, $0xFFFFFFFF;
	s2 =	smov.u32 s0  }
0x145: {  	s9 =	simm.s32 $0x6;
	p2 =	seq.s32 s0, $0xFFFFFFFF;
	s2 =	smov.u32 @p1 s4  }
0x146: {  	s6 =	simm.s32 $0x0;
	s2 =	smov.u32 @p2 s4;
	s3 =	spop (v2sf)  }
0x147: {  	s0 =	smov.u32 @p2 s5;
	p1 =	sne.s32 s2, $0xFFFFFFFF;
	s4 =	smov.u32 s3  }
.Ltmp19:
0x148: {  	p2 =	seq.s32 s3, $0xFFFFFFFF;
	s4 =	smov.u32 @p1 s2;
	(pc) =	sbr.rel .LBB2_26-.Ltmp19, $4  }
0x149: {  	s10 =	simm.s32 $0xF188;
	s4 =	smov.u32 @p2 s2;
	s7 =	spop (v2sf)  }
0x14a: {  	s11 =	simm.s32 $0x0;
	p1 =	sne.s32 s4, $0xFFFFFFFF;
	s8 =	smov.u32 s7  }
0x14b: {  	s3 =	smov.u32 @p2 s0;
	p2 =	seq.s32 s7, $0xFFFFFFFF;
	s8 =	smov.u32 @p1 s4  }
0x14c: {  	[sflag:s9] =	ssyncpa.u1 $0x0;
	s7 =	smov.u32 @p2 s3;
	s8 =	smov.u32 @p2 s4  }
.LBB2_32:
0x14d: {  	p1 =	sgt.u32 s12, $0x270F0  }
0x14e: {  	p2 =	seq.s32 @!p1 s12, s8  }
0x14f: {  	p1 =	por p1, p2  }
0x150: {  	p2 =	sne.s32 @!p1 s12, s7  }
0x151: {  	p1 =	por p1, !p2  }
0x152: {  	s0 =	sshll.u32 @p1 s11, $0x9  }
0x153: {  	s0 =	sand.u32 @!p1 $0x3FFF8, s12  }
0x154: {  	s2 =	sand.u32 @!p1 $0x7, s12;
	s0 =	sadd.s32 @!p1 s1, s0  }
0x155: {  	[tilespmem:s10], [sflag:$0x6] =	stream.linear.gather @!p1 [hbm4b:s0+s2], $0x80, $0x38;
	[tilespmem:$0x1F6F8] =	vst v63  }
0x156: {  	_ =	swait.ge @!p1 [sflag:s9], $0x80  }
0x157: {  	[sflag:s9] =	ssyncset.done @!p1 $0x0  }
0x158: {  	[sflag:s9] =	ssyncadd.s32 @!p1 $0xFFFFFF80  }
0x159: {  	v1 =	vld @!p1 [tilespmem:$0xF188];
	_ =	sdelay $0x2  }
0x15a: {  	s0 =	sshll.u32 @!p1 s11, $0x9  }
0x15b: {  	s2 =	sshrl.u32 @!p1 s0, $0x2  }
0x15c: {  	[tilespmem:s2+$0xF238] =	vst.add.f32.msk @!p1 $0xffff, v1  }
0x15d: {  	v1 =	vld @!p1 [tilespmem:$0xF198];
	_ =	sdelay $0x4  }
0x15e: {  	[tilespmem:s2+$0xF248] =	vst.add.f32.msk @!p1 $0xffff, v1  }
0x15f: {  	v1 =	vld @!p1 [tilespmem:$0xF1A8];
	_ =	sdelay $0x4  }
0x160: {  	[tilespmem:s2+$0xF258] =	vst.add.f32.msk @!p1 $0xffff, v1  }
0x161: {  	v1 =	vld @!p1 [tilespmem:$0xF1B8];
	_ =	sdelay $0x4  }
0x162: {  	[tilespmem:s2+$0xF268] =	vst.add.f32.msk @!p1 $0xffff, v1  }
0x163: {  	v1 =	vld @!p1 [tilespmem:$0xF1C8];
	_ =	sdelay $0x4  }
0x164: {  	[tilespmem:s2+$0xF278] =	vst.add.f32.msk @!p1 $0xffff, v1  }
0x165: {  	v1 =	vld @!p1 [tilespmem:$0xF1D8];
	_ =	sdelay $0x4  }
0x166: {  	[tilespmem:s2+$0xF288] =	vst.add.f32.msk @!p1 $0xffff, v1  }
0x167: {  	v1 =	vld @!p1 [tilespmem:$0xF1E8];
	_ =	sdelay $0x4  }
0x168: {  	[tilespmem:s2+$0xF298] =	vst.add.f32.msk @!p1 $0xffff, v1  }
0x169: {  	v1 =	vld @!p1 [tilespmem:$0xF1F8];
	_ =	sdelay $0x4  }
0x16a: {  	[tilespmem:s2+$0xF2A8] =	vst.add.f32.msk @!p1 $0xffff, v1  }
0x16b: {  	s0 =	sshrl.u32 s0, $0x2;
	[tilespmem:s6+$0xF218] =	vst.msk $0x1, v0  }
0x16c: {  	v0 =	vld [tilespmem:s0+$0xF238];
	_ =	sdelay $0x2  }
0x16d: {  	s31 =	sshll.u32 s6, $0x9  }
0x16e: {  	s2 =	sshra.s32 s31, $0x2  }
0x16f: {  	[tilespmem:s2+$0xF238] =	vst v0  }
0x170: {  	v0 =	vld [tilespmem:s0+$0xF248];
	_ =	sdelay $0x4  }
0x171: {  	[tilespmem:s2+$0xF248] =	vst v0  }
0x172: {  	v0 =	vld [tilespmem:s0+$0xF258];
	_ =	sdelay $0x4  }
0x173: {  	[tilespmem:s2+$0xF258] =	vst v0  }
0x174: {  	v0 =	vld [tilespmem:s0+$0xF268];
	_ =	sdelay $0x4  }
0x175: {  	[tilespmem:s2+$0xF268] =	vst v0  }
0x176: {  	v0 =	vld [tilespmem:s0+$0xF278];
	_ =	sdelay $0x4  }
0x177: {  	[tilespmem:s2+$0xF278] =	vst v0  }
0x178: {  	v0 =	vld [tilespmem:s0+$0xF288];
	_ =	sdelay $0x4  }
0x179: {  	[tilespmem:s2+$0xF288] =	vst v0  }
0x17a: {  	v0 =	vld [tilespmem:s0+$0xF298];
	_ =	sdelay $0x4  }
0x17b: {  	[tilespmem:s2+$0xF298] =	vst v0  }
0x17c: {  	v0 =	vld [tilespmem:s0+$0xF2A8];
	_ =	sdelay $0x4  }
0x17d: {  	s6 =	sadd.s32 $0x1, s6;
	[tilespmem:s2+$0xF2A8] =	vst v0  }
.LBB2_33:
0x17e: {  	s11 =	sadd.s32 $0x1, s11  }
0x17f: {  	p1 =	sne.s32 s11, $0x20  }
.Ltmp20:
0x180: {  	_ = 	snop;
	(pc) =	sbr.rel @!p1 .LBB2_34-.Ltmp20, $1  }
0x181: {  	_ =	sdelay $0x3  }
.LBB2_26:
0x182: {  	v0 =	vld.msk [tilespmem:s11+$0xF218], $0x1;
	_ =	sdelay $0x4  }
0x183: {  	(v2sf) =	vpush v0, $0x0;
	_ =	sdelay $0xe  }
0x184: {  	s12 =	spop (v2sf)  }
0x185: {  	p1 =	seq.s32 s12, $0xFFFFFFFF  }
.Ltmp21:
0x186: {  	_ = 	snop;
	(pc) =	sbr.rel @p1 .LBB2_33-.Ltmp21, $1  }
0x187: {  	_ =	sdelay $0x3  }
0x188: {  	p1 =	slt.s32 s6, $0x1  }
.Ltmp22:
0x189: {  	_ = 	snop;
	(pc) =	sbr.rel @p1 .LBB2_32-.Ltmp22, $1  }
0x18a: {  	_ =	sdelay $0x3  }
0x18b: {  	s13 =	simm.s32 $0xF218;
	p1 =	por $0x0, $0x0  }
0x18c: {  	v1 =	vld.msk @!p1 [tilespmem:s13+$0x0], $0x1;
	_ =	sdelay $0x4  }
0x18d: {  	(v2sf) =	vpush @!p1 v1, $0x0;
	_ =	sdelay $0xd  }
0x18e: {  	p3 =	sne.s32 s6, $0x1  }
.Ltmp23:
0x18f: {  	s0 =	spop @!p1 (v2sf);
	(pc) =	sbr.rel @!p3 .LBB2_30-.Ltmp23, $4  }
0x190: {  	p2 =	seq.s32 @!p1 s12, s0  }
0x191: {  	s14 =	simm.s32 $0x0;
	p2 =	por !p2, p1  }
0x192: {  	s2 =	simm.s32 $0xFFFFFFFF;
	s14 =	simm.s32 @p2 $0xFFFFFFFF  }
0x193: {  	s0 =	simm.s32 $0x1;
	s14 =	smov.u32 @p1 s2  }
.LBB2_29:
0x194: {  	s2 =	smov.u32 s14;
	p1 =	sne.s32 s14, $0xFFFFFFFF  }
0x195: {  	s13 =	sadd.s32 $0x1, s13;
	s14 =	smov.u32 s0;
	s0 =	sadd.s32 $0x1, s0  }
0x196: {  	p2 =	sne.s32 s6, s0;
	v1 =	vld.msk @!p1 [tilespmem:s13+$0x0], $0x1;
	_ =	sdelay $0x4  }
0x197: {  	(v2sf) =	vpush @!p1 v1, $0x0;
	_ =	sdelay $0xe  }
.Ltmp24:
0x198: {  	s3 =	spop @!p1 (v2sf);
	(pc) =	sbr.rel @p2 .LBB2_29-.Ltmp24, $4  }
0x199: {  	p3 =	seq.s32 @!p1 s12, s3  }
0x19a: {  	p3 =	por !p3, p1  }
0x19b: {  	s14 =	simm.s32 @p3 $0xFFFFFFFF  }
0x19c: {  	s14 =	smov.u32 @p1 s2  }
.LBB2_30:
0x19d: {  	p1 =	seq.s32 s14, $0xFFFFFFFF  }
.Ltmp25:
0x19e: {  	_ = 	snop;
	(pc) =	sbr.rel @p1 .LBB2_32-.Ltmp25, $1  }
0x19f: {  	_ =	sdelay $0x3  }
0x1a0: {  	s0 =	sshll.u32 s11, $0x7  }
0x1a1: {  	s0 =	sand.u32 $0x3FFFFF80, s0  }
0x1a2: {  	v0 =	vld [tilespmem:s0+$0xF238];
	_ =	sdelay $0x2  }
0x1a3: {  	s2 =	sshll.u32 s14, $0x9  }
0x1a4: {  	s2 =	sshra.s32 s2, $0x2  }
0x1a5: {  	[tilespmem:s2+$0xF238] =	vst.add.f32.msk $0xffff, v0  }
0x1a6: {  	v0 =	vld [tilespmem:s0+$0xF248];
	_ =	sdelay $0x4  }
0x1a7: {  	[tilespmem:s2+$0xF248] =	vst.add.f32.msk $0xffff, v0  }
0x1a8: {  	v0 =	vld [tilespmem:s0+$0xF258];
	_ =	sdelay $0x4  }
0x1a9: {  	[tilespmem:s2+$0xF258] =	vst.add.f32.msk $0xffff, v0  }
0x1aa: {  	v0 =	vld [tilespmem:s0+$0xF268];
	_ =	sdelay $0x4  }
0x1ab: {  	[tilespmem:s2+$0xF268] =	vst.add.f32.msk $0xffff, v0  }
0x1ac: {  	v0 =	vld [tilespmem:s0+$0xF278];
	_ =	sdelay $0x4  }
0x1ad: {  	[tilespmem:s2+$0xF278] =	vst.add.f32.msk $0xffff, v0  }
0x1ae: {  	v0 =	vld [tilespmem:s0+$0xF288];
	_ =	sdelay $0x4  }
0x1af: {  	[tilespmem:s2+$0xF288] =	vst.add.f32.msk $0xffff, v0  }
0x1b0: {  	v0 =	vld [tilespmem:s0+$0xF298];
	_ =	sdelay $0x4  }
0x1b1: {  	[tilespmem:s2+$0xF298] =	vst.add.f32.msk $0xffff, v0  }
0x1b2: {  	v0 =	vld [tilespmem:s0+$0xF2A8]  }
.Ltmp26:
0x1b3: {  	_ = 	snop;
	(pc) =	sbr.rel .LBB2_33-.Ltmp26, $2  }
0x1b4: {  	_ =	sdelay $0x2  }
0x1b5: {  	[tilespmem:s2+$0xF2A8] =	vst.add.f32.msk $0xffff, v0  }
.LBB2_34:
0x1b6: {  	s0 =	simm.s32 $0x6;
	p1 =	seq.s32 s6, $0x0  }
0x1b7: {  	[sflag:s0] =	ssyncpa.u1 $0x1;
	v0 =	vimm.s32 @p1 $0xFFFFFFFF  }
0x1b8: {  	s9 =	sadd.s32 $0xFFFFFFFF, s6;
	[tilespmem:$0x10238] =	vst @p1 v0  }
0x1b9: {  	v0 =	vld.msk @!p1 [tilespmem:s9+$0xF218], $0x1;
	_ =	sdelay $0x1  }
0x1ba: {  	v1 =	vld.msk @!p1 [tilespmem:$0xF218], $0x1;
	_ =	sdelay $0x2  }
0x1bb: {  	p2 =	seq.s32 @!p1 s9, $0x0;
	v0 =	vbroadcast @!p1 v0, $0x0  }
0x1bc: {  	vm0 =	vmmov @!p1 $0x1;
	p2 =	por !p2, p1  }
0x1bd: {  	v1 =	vnsel @!p1 vm0, $0xFFFFFFFF, v1;
	vm0 =	vcmask @!p1 $0x308;
	v0 =	vpsel !p2, $0xFFFFFFFF, v0  }
0x1be: {  	p2 =	sne.s32 @!p1 s8, s7;
	v0 =	vsel @!p1 vm0, v1, v0  }
0x1bf: {  	s0 =	simm.s32 @!p1 $0xF238;
	s2 =	simm.s32 @!p1 $0x0;
	p3 =	por !p2, p1;
	[tilespmem:$0x10238] =	vst @!p1 v0  }
0x1c0: {  	[spmem:s2] =	stream.linear.scatter @!p1 [tilespmem:s0], [sflag:$0x1], $0x80, $0x38;
	[tilespmem:$0x1F6F8] =	vst v63  }
0x1c1: {  	s0 =	sshll.u32 @!p3 s9, $0x9  }
0x1c2: {  	s0 =	sshra.s32 @!p3 s0, $0x2  }
0x1c3: {  	s2 =	simm.s32 @!p3 $0x80;
	s0 =	sadd.s32 @!p3 $0xF238, s0  }
0x1c4: {  	[spmem:s2] =	stream.linear.scatter @!p3 [tilespmem:s0], [sflag:$0x1], $0x80, $0x38;
	[tilespmem:$0x1F6F8] =	vst v63  }
0x1c5: {  	s0 =	simm.s32 @!p3 $0x1  }
0x1c6: {  	_ =	swait.ge @!p3 [sflag:s0], $0x100  }
0x1c7: {  	p1 =	por p2, p1;
	[sflag:s0] =	ssyncset.done @!p3 $0x0  }
0x1c8: {  	[sflag:s0] =	ssyncadd.s32 @!p3 $0xFFFFFF00;
	s0 =	simm.s32 @!p1 $0x1  }
0x1c9: {  	_ =	swait.ge @!p1 [sflag:s0], $0x80  }
0x1ca: {  	s29 =	simm.s32 $0x10238;
	[sflag:s0] =	ssyncset.done @!p1 $0x0  }
0x1cb: {  	s30 =	simm.s32 $0x1000;
	s31 =	simm.s32 $0x1;
	[sflag:s0] =	ssyncadd.s32 @!p1 $0xFFFFFF80  }
0x1cc: {  	[spmem:s30] =	stream.linear.scatter [tilespmem:s29], [sflag:$0x1], $0x10, $0x38;
	[tilespmem:$0x1F6F8] =	vst v63  }
0x1cd: {  	_ =	swait.ge [sflag:s31], $0x10  }
0x1ce: {  	[sflag:s31] =	ssyncset.done $0x0  }
0x1cf: {  	p1 =	seq.s32 s15, $0x0;
	s8 =	rddreg [dreg:$0x2];
	[sflag:s31] =	ssyncadd.s32 $0xFFFFFFF0  }
0x1d0: {  	s2 =	sshll.u32 @p1 s8, $0xE;
	s7 =	rddreg [dreg:$0x3]  }
0x1d1: {  	s0 =	sadd.s32 @p1 $0x15C3C, s2;
	s2 =	sshll.u32 @p1 s7, $0x11  }
0x1d2: {  	_ =	sfence.stream.spmem;
	s0 =	sor.u32 @p1 s2, s0  }
0x1d3: {  	[sflag:s0] =	ssyncadd.remote.s32 @p1 $0x1;
	s0 =	simm.s32 @p1 $0x4  }
0x1d4: {  	s3 =	simm.s32 @!p1 $0x3C;
	s2 =	sand.u32 $0xFFFFFFFE, s8;
	_ =	swait.ge @p1 [sflag:s0], $0x22  }
0x1d5: {  	s4 =	simm.s32 @!p1 $0x0;
	s2 =	sadd.s32 @!p1 $0x4, s2;
	[sflag:s0] =	ssyncset.done @p1 $0x0  }
0x1d6: {  	s5 =	simm.s32 @!p1 $0x100;
	[sflag:s0] =	ssyncadd.s32 @p1 $0xFFFFFFDE;
	s0 =	sshll.u32 @!p1 s2, $0x1A  }
0x1d7: {  	s2 =	sshll.u32 @!p1 s2, $0xD;
	s0 =	sor.u32 @!p1 s0, s7;
	_ =	swait.eq @!p1 [sflag:s3], $0x1  }
0x1d8: {  	s2 =	sor.u32 @!p1 $0x1C04, s2;
	s3 =	simm.s32 @!p1 $0x1C03;
	s0 =	sor.u32 @!p1 $0x80004000, s0  }
0x1d9: {  	[spmem:s5], [sflag:s2] =	dma.general @!p1 [spmem:s4], [sflag:s3], length:$0x20, [dreg:$0x0], stride_count:$0x0, ici_dest:s0, dma_misc:DstOpCode:WRITE  }
0x1da: {  	p2 =	slt.s32 s9, $0x2;
	s4 =	simm.s32 @!p1 $0x200;
	s5 =	simm.s32 @!p1 $0x202  }
0x1db: {  	[spmem:s5], [sflag:s2] =	dma.general @!p1 [spmem:s4], [sflag:s3], length:$0x2, [dreg:$0x0], stride_count:$0x0, ici_dest:s0, dma_misc:DstOpCode:WRITE  }
.Ltmp27:
0x1dc: {  	s0 =	simm.s32 @!p1 $0x3;
	(pc) =	sbr.rel @p2 .LBB2_38-.Ltmp27, $4  }
0x1dd: {  	s2 =	sshll.u32 @!p1 s8, $0xE;
	_ =	swait.ge @!p1 [sflag:s0], $0x22  }
0x1de: {  	s3 =	sshll.u32 @!p1 s7, $0x11;
	s2 =	sadd.s32 @!p1 $0x11C3C, s2;
	[sflag:s0] =	ssyncset.done @!p1 $0x0  }
0x1df: {  	[sflag:s0] =	ssyncadd.s32 @!p1 $0xFFFFFFDE;
	s0 =	sor.u32 @!p1 s3, s2  }
0x1e0: {  	[sflag:s0] =	ssyncadd.remote.s32 @!p1 $0xFFFFFFFF;
	s0 =	simm.s32 $0x0  }
0x1e1: {  	s0 =	simm.s32 $0xF219  }
0x1e2: {  	v0 =	vld.msk [tilespmem:s0+$0x0], $0x1;
	_ =	sdelay $0x4  }
0x1e3: {  	(v2sf) =	vpush v0, $0x0;
	_ =	sdelay $0xb  }
0x1e4: {  	s31 =	sadd.s32 $0xFFFFFFFE, s6  }
0x1e5: {  	s0 =	sadd.s32 $0xFFFFFFFF, s31  }
0x1e6: {  	p2 =	sne.s32 s0, $0x0  }
.Ltmp28:
0x1e7: {  	s2 =	spop (v2sf);
	(pc) =	sbr.rel @!p2 .LBB2_37-.Ltmp28, $4  }
0x1e8: {  	s4 =	simm.s32 $0xF2B8;
	s7 =	simm.s32 $0x0;
	p1 =	sgt.u32 s2, $0x270F0  }
0x1e9: {  	s5 =	simm.s32 $0x0;
	s6 =	simm.s32 $0xF21A;
	s3 =	sand.u32 @!p1 $0x3FFF8, s2  }
0x1ea: {  	s2 =	sand.u32 @!p1 $0x7, s2;
	s7 =	simm.s32 @!p1 $0x200;
	s3 =	sadd.s32 @!p1 s1, s3  }
0x1eb: {  	[hbm4b:s3+s2] =	stream.linear.scatter @!p1 [tilespmem:s4], [sflag:$0x5], $0x80, $0x38;
	[tilespmem:$0x1F6F8] =	vst v63  }
.LBB2_36:
0x1ec: {  	v0 =	vld.msk [tilespmem:s6+$0x0], $0x1;
	s0 =	sadd.s32 $0xFFFFFFFF, s0;
	s5 =	sadd.s32 s5, s7  }
0x1ed: {  	p1 =	sne.s32 s0, $0x0;
	_ =	sdelay $0x3  }
0x1ee: {  	(v2sf) =	vpush v0, $0x0;
	_ =	sdelay $0xe  }
.Ltmp29:
0x1ef: {  	s2 =	spop (v2sf);
	(pc) =	sbr.rel @p1 .LBB2_36-.Ltmp29, $4  }
0x1f0: {  	s7 =	simm.s32 $0x0;
	p2 =	sgt.u32 s2, $0x270F0  }
0x1f1: {  	s4 =	sadd.s32 $0x80, s4;
	s7 =	simm.s32 @!p2 $0x200;
	s3 =	sand.u32 @!p2 $0x3FFF8, s2  }
0x1f2: {  	s6 =	sadd.s32 $0x1, s6;
	s2 =	sand.u32 @!p2 $0x7, s2;
	s3 =	sadd.s32 @!p2 s1, s3  }
0x1f3: {  	[hbm4b:s3+s2] =	stream.linear.scatter @!p2 [tilespmem:s4], [sflag:$0x5], $0x80, $0x38;
	[tilespmem:$0x1F6F8] =	vst v63  }
.LBB2_37:
0x1f4: {  	s0 =	sadd.s32 s5, s7  }
0x1f5: {  	s0 =	sshrl.u32 s0, $0x2  }
.LBB2_38:
0x1f6: {  	s2 =	simm.s32 $0x5  }
0x1f7: {  	_ =	swait.ge [sflag:s2], s0  }
0x1f8: {  	s31 =	ssub.s32 $0x0, s0;
	[sflag:s2] =	ssyncset.done $0x0  }
0x1f9: {  	[sflag:s2] =	ssyncadd.s32 s31  }
0x1fa: {  	[sflag:s2] =	ssyncpa.u1 $0x1  }
.LBB2_39:
0x1fb: {  	s0 =	sor.u32 s15, s16  }
0x1fc: {  	p1 =	sne.s32 s0, $0x0  }
.Ltmp30:
0x1fd: {  	_ = 	snop;
	(pc) =	sbr.rel @p1 .LBB2_54-.Ltmp30, $3  }
0x1fe: {  	_ =	sdelay $0x1  }
0x1ff: {  	[bflag:$0x0] =	sbarrier.arrive $0xFFFF  }
0x200: {  	_ =	sfence  }
0x201: {  	s0 =	simm.s32 $0x7  }
0x202: {  	s2 =	simm.s32 $0x1000;
	s3 =	simm.s32 $0xF218;
	[sflag:s0] =	ssyncpa.u1 $0x0  }
0x203: {  	[tilespmem:s3], [sflag:$0x7] =	stream.linear.gather [spmem:s2], $0x20, $0x38;
	[tilespmem:$0x1F6F8] =	vst v63  }
0x204: {  	s30 =	simm.s32 $0xF238;
	s2 =	simm.s32 $0x0  }
0x205: {  	[tilespmem:s30], [sflag:$0x7] =	stream.linear.gather [spmem:s2], $0x1000, $0x38;
	[tilespmem:$0x1F6F8] =	vst v63  }
.Ltmp31:
0x206: {  	_ = 	snop;
	(pc) =	sbr.rel .LBB2_41-.Ltmp31, $4  }
0x207: {  	_ =	swait.ge [sflag:s0], $0x1020  }
0x208: {  	[sflag:s0] =	ssyncset.done $0x0  }
0x209: {  	s31 =	simm.s32 $0x8;
	[sflag:s0] =	ssyncadd.s32 $0xFFFFEFE0  }
0x20a: {  	s3 =	simm.s32 $0x0;
	[sflag:s31] =	ssyncpa.u1 $0x0  }
.LBB2_47:
0x20b: {  	p1 =	slt.u32 s4, $0x270F1  }
0x20c: {  	s0 =	sand.u32 @p1 $0x3FFF8, s4  }
0x20d: {  	s4 =	sand.u32 @p1 $0x7, s4;
	s5 =	simm.s32 @p1 $0xF188;
	s0 =	sadd.s32 @p1 s1, s0  }
0x20e: {  	[tilespmem:s5], [sflag:$0x8] =	stream.linear.gather @p1 [hbm4b:s0+s4], $0x80, $0x38;
	[tilespmem:$0x1F6F8] =	vst v63  }
0x20f: {  	s0 =	simm.s32 @p1 $0x8  }
0x210: {  	_ =	swait.ge @p1 [sflag:s0], $0x80  }
0x211: {  	[sflag:s0] =	ssyncset.done @p1 $0x0  }
0x212: {  	[sflag:s0] =	ssyncadd.s32 @p1 $0xFFFFFF80  }
0x213: {  	v1 =	vld @p1 [tilespmem:$0xF188];
	_ =	sdelay $0x2  }
0x214: {  	s0 =	sshll.u32 @p1 s3, $0x9  }
0x215: {  	s4 =	sshrl.u32 @p1 s0, $0x2  }
0x216: {  	[tilespmem:s4+$0xF238] =	vst.add.f32.msk @p1 $0xffff, v1  }
0x217: {  	v1 =	vld @p1 [tilespmem:$0xF198];
	_ =	sdelay $0x4  }
0x218: {  	[tilespmem:s4+$0xF248] =	vst.add.f32.msk @p1 $0xffff, v1  }
0x219: {  	v1 =	vld @p1 [tilespmem:$0xF1A8];
	_ =	sdelay $0x4  }
0x21a: {  	[tilespmem:s4+$0xF258] =	vst.add.f32.msk @p1 $0xffff, v1  }
0x21b: {  	v1 =	vld @p1 [tilespmem:$0xF1B8];
	_ =	sdelay $0x4  }
0x21c: {  	[tilespmem:s4+$0xF268] =	vst.add.f32.msk @p1 $0xffff, v1  }
0x21d: {  	v1 =	vld @p1 [tilespmem:$0xF1C8];
	_ =	sdelay $0x4  }
0x21e: {  	[tilespmem:s4+$0xF278] =	vst.add.f32.msk @p1 $0xffff, v1  }
0x21f: {  	v1 =	vld @p1 [tilespmem:$0xF1D8];
	_ =	sdelay $0x4  }
0x220: {  	[tilespmem:s4+$0xF288] =	vst.add.f32.msk @p1 $0xffff, v1  }
0x221: {  	v1 =	vld @p1 [tilespmem:$0xF1E8];
	_ =	sdelay $0x4  }
0x222: {  	[tilespmem:s4+$0xF298] =	vst.add.f32.msk @p1 $0xffff, v1  }
0x223: {  	v1 =	vld @p1 [tilespmem:$0xF1F8];
	_ =	sdelay $0x3  }
0x224: {  	s5 =	sshll.u32 @!p1 s3, $0x9  }
0x225: {  	s5 =	smov.u32 @p1 s0;
	[tilespmem:s4+$0xF2A8] =	vst.add.f32.msk @p1 $0xffff, v1  }
0x226: {  	s0 =	sshrl.u32 s5, $0x2;
	[tilespmem:s2+$0xF218] =	vst.msk $0x1, v0  }
0x227: {  	v0 =	vld [tilespmem:s0+$0xF238];
	_ =	sdelay $0x2  }
0x228: {  	s31 =	sshll.u32 s2, $0x9  }
0x229: {  	s4 =	sshra.s32 s31, $0x2  }
0x22a: {  	[tilespmem:s4+$0xF238] =	vst v0  }
0x22b: {  	v0 =	vld [tilespmem:s0+$0xF248];
	_ =	sdelay $0x4  }
0x22c: {  	[tilespmem:s4+$0xF248] =	vst v0  }
0x22d: {  	v0 =	vld [tilespmem:s0+$0xF258];
	_ =	sdelay $0x4  }
0x22e: {  	[tilespmem:s4+$0xF258] =	vst v0  }
0x22f: {  	v0 =	vld [tilespmem:s0+$0xF268];
	_ =	sdelay $0x4  }
0x230: {  	[tilespmem:s4+$0xF268] =	vst v0  }
0x231: {  	v0 =	vld [tilespmem:s0+$0xF278];
	_ =	sdelay $0x4  }
0x232: {  	[tilespmem:s4+$0xF278] =	vst v0  }
0x233: {  	v0 =	vld [tilespmem:s0+$0xF288];
	_ =	sdelay $0x4  }
0x234: {  	[tilespmem:s4+$0xF288] =	vst v0  }
0x235: {  	v0 =	vld [tilespmem:s0+$0xF298];
	_ =	sdelay $0x4  }
0x236: {  	[tilespmem:s4+$0xF298] =	vst v0  }
0x237: {  	v0 =	vld [tilespmem:s0+$0xF2A8];
	_ =	sdelay $0x4  }
0x238: {  	s2 =	sadd.s32 $0x1, s2;
	[tilespmem:s4+$0xF2A8] =	vst v0  }
.LBB2_48:
0x239: {  	s3 =	sadd.s32 $0x1, s3  }
0x23a: {  	p1 =	sne.s32 s3, $0x20  }
.Ltmp32:
0x23b: {  	_ = 	snop;
	(pc) =	sbr.rel @!p1 .LBB2_49-.Ltmp32, $1  }
0x23c: {  	_ =	sdelay $0x3  }
.LBB2_41:
0x23d: {  	v0 =	vld.msk [tilespmem:s3+$0xF218], $0x1;
	_ =	sdelay $0x4  }
0x23e: {  	(v2sf) =	vpush v0, $0x0;
	_ =	sdelay $0xe  }
0x23f: {  	s4 =	spop (v2sf)  }
0x240: {  	p1 =	seq.s32 s4, $0xFFFFFFFF  }
.Ltmp33:
0x241: {  	_ = 	snop;
	(pc) =	sbr.rel @p1 .LBB2_48-.Ltmp33, $1  }
0x242: {  	_ =	sdelay $0x3  }
0x243: {  	p1 =	slt.s32 s2, $0x1  }
.Ltmp34:
0x244: {  	_ = 	snop;
	(pc) =	sbr.rel @p1 .LBB2_47-.Ltmp34, $1  }
0x245: {  	_ =	sdelay $0x3  }
0x246: {  	s5 =	simm.s32 $0xF218;
	p1 =	por $0x0, $0x0  }
0x247: {  	v1 =	vld.msk @!p1 [tilespmem:s5+$0x0], $0x1;
	_ =	sdelay $0x4  }
0x248: {  	(v2sf) =	vpush @!p1 v1, $0x0;
	_ =	sdelay $0xd  }
0x249: {  	p3 =	sne.s32 s2, $0x1  }
.Ltmp35:
0x24a: {  	s0 =	spop @!p1 (v2sf);
	(pc) =	sbr.rel @!p3 .LBB2_45-.Ltmp35, $4  }
0x24b: {  	p2 =	seq.s32 @!p1 s4, s0  }
0x24c: {  	s6 =	simm.s32 $0x0;
	p2 =	por !p2, p1  }
0x24d: {  	s7 =	simm.s32 $0xFFFFFFFF;
	s6 =	simm.s32 @p2 $0xFFFFFFFF  }
0x24e: {  	s0 =	simm.s32 $0x1;
	s6 =	smov.u32 @p1 s7  }
.LBB2_44:
0x24f: {  	s7 =	smov.u32 s6;
	p1 =	sne.s32 s6, $0xFFFFFFFF  }
0x250: {  	s5 =	sadd.s32 $0x1, s5;
	s6 =	smov.u32 s0;
	s0 =	sadd.s32 $0x1, s0  }
0x251: {  	p2 =	sne.s32 s2, s0;
	v1 =	vld.msk @!p1 [tilespmem:s5+$0x0], $0x1;
	_ =	sdelay $0x4  }
0x252: {  	(v2sf) =	vpush @!p1 v1, $0x0;
	_ =	sdelay $0xe  }
.Ltmp36:
0x253: {  	s8 =	spop @!p1 (v2sf);
	(pc) =	sbr.rel @p2 .LBB2_44-.Ltmp36, $4  }
0x254: {  	p3 =	seq.s32 @!p1 s4, s8  }
0x255: {  	p3 =	por !p3, p1  }
0x256: {  	s6 =	simm.s32 @p3 $0xFFFFFFFF  }
0x257: {  	s6 =	smov.u32 @p1 s7  }
.LBB2_45:
0x258: {  	p1 =	seq.s32 s6, $0xFFFFFFFF  }
.Ltmp37:
0x259: {  	_ = 	snop;
	(pc) =	sbr.rel @p1 .LBB2_47-.Ltmp37, $1  }
0x25a: {  	_ =	sdelay $0x3  }
0x25b: {  	s0 =	sshll.u32 s3, $0x7  }
0x25c: {  	s0 =	sand.u32 $0x3FFFFF80, s0  }
0x25d: {  	v0 =	vld [tilespmem:s0+$0xF238];
	_ =	sdelay $0x2  }
0x25e: {  	s4 =	sshll.u32 s6, $0x9  }
0x25f: {  	s4 =	sshra.s32 s4, $0x2  }
0x260: {  	[tilespmem:s4+$0xF238] =	vst.add.f32.msk $0xffff, v0  }
0x261: {  	v0 =	vld [tilespmem:s0+$0xF248];
	_ =	sdelay $0x4  }
0x262: {  	[tilespmem:s4+$0xF248] =	vst.add.f32.msk $0xffff, v0  }
0x263: {  	v0 =	vld [tilespmem:s0+$0xF258];
	_ =	sdelay $0x4  }
0x264: {  	[tilespmem:s4+$0xF258] =	vst.add.f32.msk $0xffff, v0  }
0x265: {  	v0 =	vld [tilespmem:s0+$0xF268];
	_ =	sdelay $0x4  }
0x266: {  	[tilespmem:s4+$0xF268] =	vst.add.f32.msk $0xffff, v0  }
0x267: {  	v0 =	vld [tilespmem:s0+$0xF278];
	_ =	sdelay $0x4  }
0x268: {  	[tilespmem:s4+$0xF278] =	vst.add.f32.msk $0xffff, v0  }
0x269: {  	v0 =	vld [tilespmem:s0+$0xF288];
	_ =	sdelay $0x4  }
0x26a: {  	[tilespmem:s4+$0xF288] =	vst.add.f32.msk $0xffff, v0  }
0x26b: {  	v0 =	vld [tilespmem:s0+$0xF298];
	_ =	sdelay $0x4  }
0x26c: {  	[tilespmem:s4+$0xF298] =	vst.add.f32.msk $0xffff, v0  }
0x26d: {  	v0 =	vld [tilespmem:s0+$0xF2A8]  }
.Ltmp38:
0x26e: {  	_ = 	snop;
	(pc) =	sbr.rel .LBB2_48-.Ltmp38, $2  }
0x26f: {  	_ =	sdelay $0x2  }
0x270: {  	[tilespmem:s4+$0xF2A8] =	vst.add.f32.msk $0xffff, v0  }
.LBB2_49:
0x271: {  	p1 =	slt.s32 s2, $0x1  }
.Ltmp39:
0x272: {  	_ = 	snop;
	(pc) =	sbr.rel @p1 .LBB2_53-.Ltmp39, $3  }
0x273: {  	_ =	sdelay $0x1  }
0x274: {  	s0 =	simm.s32 $0x8  }
0x275: {  	s3 =	simm.s32 $0x0;
	[sflag:s0] =	ssyncpa.u1 $0x1  }
0x276: {  	s0 =	simm.s32 $0xF218  }
0x277: {  	v0 =	vld.msk [tilespmem:s0+$0x0], $0x1;
	_ =	sdelay $0x4  }
0x278: {  	(v2sf) =	vpush v0, $0x0;
	_ =	sdelay $0xe  }
0x279: {  	s0 =	sadd.s32 $0xFFFFFFFF, s2;
	s5 =	spop (v2sf)  }
0x27a: {  	p2 =	sne.s32 s0, $0x0;
	p1 =	sgt.u32 s5, $0x270F0  }
.Ltmp40:
0x27b: {  	s6 =	sand.u32 @!p1 $0x3FFF8, s5;
	(pc) =	sbr.rel @!p2 .LBB2_52-.Ltmp40, $4  }
0x27c: {  	s4 =	simm.s32 $0xF238;
	s5 =	sand.u32 @!p1 $0x7, s5;
	s2 =	sadd.s32 @!p1 s1, s6  }
0x27d: {  	[hbm4b:s2+s5] =	stream.linear.scatter @!p1 [tilespmem:s4], [sflag:$0x7], $0x80, $0x38;
	[tilespmem:$0x1F6F8] =	vst v63  }
0x27e: {  	s5 =	simm.s32 $0x0  }
0x27f: {  	s2 =	simm.s32 $0xF219;
	s5 =	simm.s32 @!p1 $0x200  }
.LBB2_51:
0x280: {  	v0 =	vld.msk [tilespmem:s2+$0x0], $0x1;
	s0 =	sadd.s32 $0xFFFFFFFF, s0;
	s3 =	sadd.s32 s3, s5  }
0x281: {  	p1 =	sne.s32 s0, $0x0;
	_ =	sdelay $0x3  }
0x282: {  	(v2sf) =	vpush v0, $0x0;
	_ =	sdelay $0xe  }
.Ltmp41:
0x283: {  	s6 =	spop (v2sf);
	(pc) =	sbr.rel @p1 .LBB2_51-.Ltmp41, $4  }
0x284: {  	s5 =	simm.s32 $0x0;
	p2 =	sgt.u32 s6, $0x270F0  }
0x285: {  	s4 =	sadd.s32 $0x80, s4;
	s5 =	simm.s32 @!p2 $0x200;
	s7 =	sand.u32 @!p2 $0x3FFF8, s6  }
0x286: {  	s2 =	sadd.s32 $0x1, s2;
	s6 =	sand.u32 @!p2 $0x7, s6;
	s7 =	sadd.s32 @!p2 s1, s7  }
0x287: {  	[hbm4b:s7+s6] =	stream.linear.scatter @!p2 [tilespmem:s4], [sflag:$0x7], $0x80, $0x38;
	[tilespmem:$0x1F6F8] =	vst v63  }
.LBB2_52:
0x288: {  	s0 =	sadd.s32 s3, s5  }
0x289: {  	s3 =	sshrl.u32 s0, $0x2  }
.LBB2_53:
0x28a: {  	s0 =	simm.s32 $0x7  }
0x28b: {  	_ =	swait.ge [sflag:s0], s3  }
0x28c: {  	s1 =	ssub.s32 $0x0, s3;
	[sflag:s0] =	ssyncset.done $0x0  }
0x28d: {  	[sflag:s0] =	ssyncadd.s32 s1  }
0x28e: {  	[sflag:s0] =	ssyncpa.u1 $0x1  }
.LBB2_54:
0x28f: {  	_ =	sfence;
	s0 =	simm.s32 $0x1  }
0x290: {  	[sflag:s0] =	ssyncpa.u1 $0x1  }
0x291: {  	_ =	strace $0x9000004A  }
0x292: {  	[bflag:$0x2] =	sbarrier.arrive $0xFFFF  }
0x293: {  	s0 =	rddreg [dreg:$0x4]  }
0x294: {  	s0 =	sadd.s32 @!p0 $0x100000, s0  }
0x295: {  	[sflag:s0] =	ssyncadd.tile.s32 @!p0 $0x1;
	_ =	shalt  }
.Lfunc_end2:
_tile_overlayer_lowered:
.L_overlay_start_2:
0x296: {  	(tag) =	ssettag $0x2  }
0x297: {  	s0 =	rddreg [dreg:$0x0];
	s2 =	stileid.u32  }
0x298: {  	s1 =	rddreg [dreg:$0x1];
	p0 =	sne.s32 s2, $0x0  }
0x299: {  	s3 =	rddreg [dreg:$0x2];
	[bflag:$0x3] =	sbarrier.arrive $0xFFFF;
	s2 =	simm.s32 @!p0 $0x1C01  }
0x29a: {  	[timem:s3], [sflag:s2] =	dma.local @!p0 [hbm:s0], s1  }
0x29b: {  	s0 =	simm.s32 @!p0 $0x1  }
0x29c: {  	_ =	swait.ge @!p0 [sflag:s0], s1  }
0x29d: {  	s1 =	ssub.s32 @!p0 $0x0, s1;
	[sflag:s0] =	ssyncset.done @!p0 $0x0  }
0x29e: {  	[sflag:s0] =	ssyncadd.s32 @!p0 s1  }
0x29f: {  	[bflag:$0x3] =	sbarrier.arrive $0xFFFF  }
0x2a0: {  	_ =	shalt  }

// kernel: scatter_offload_async_start
scs
__scs_entry_jumppad:
0x0: {  	(pc) =	sbr.rel $0x88, $3  }
0x1: {  	(tag) =	ssettag $0x0;
	lr =	simm.s32 $0x1  }
0x2: {  	[smem:$0x3F9D] =	sst lr;
	_ =	strace $0xD0000000  }
0x3: {  	_ = 	snop  }
0x4: {  	_ = 	snop  }
0x5: {  	_ = 	snop  }
0x6: {  	_ = 	snop  }
0x7: {  	_ = 	snop  }
__scs_overlays_trampoline_lowered:
0x8: {  	[smem:$0x3FAC] =	sst s0  }
0x9: {  	[smem:$0x3FAD] =	sst s1  }
0xa: {  	[smem:$0x3FAE] =	sst s2  }
0xb: {  	[smem:$0x3FAF] =	sst s3  }
0xc: {  	[smem:$0x3FB0] =	sst s4  }
0xd: {  	[smem:$0x3FB1] =	sst s5  }
0xe: {  	[smem:$0x3FB2] =	sst s6  }
0xf: {  	[smem:$0x3FB3] =	sst s7  }
0x10: {  	[smem:$0x3FB4] =	sst s8  }
0x11: {  	[smem:$0x3FB5] =	sst s9;
	s0 =	simm.s32 @!p0 $0x0  }
0x12: {  	s1 =	sld [smem:$0x3F9B];
	s0 =	simm.s32 @p0 $0x1  }
0x13: {  	[smem:$0x3FB6] =	sst s0;
	s0 =	simm.s32 @!p1 $0x0  }
0x14: {  	s2 =	sld [smem:$0x3F9A];
	s0 =	simm.s32 @p1 $0x1  }
0x15: {  	[smem:$0x3FB7] =	sst s0;
	s0 =	simm.s32 @!p2 $0x0  }
0x16: {  	s3 =	sld [smem:$0x3FDB];
	s0 =	simm.s32 @p2 $0x1  }
0x17: {  	s4 =	simm.s32 $0x1BF5;
	[smem:$0x3FB9] =	sst s0  }
0x18: {  	s0 =	sld [smem:$0x3F9C];
	_ =	swait.ge [sflag:s4], $0x0  }
0x19: {  	s7 =	sld [smem:$0x3F9D]  }
0x1a: {  	s8 =	sadd.s32 $0xFFFFE003, lr  }
0x1b: {  	s9 =	sadd.s32 $0xFFFFFEF7, lr;
	s5 =	simm.s32 $0xFFFFFFFF;
	p2 =	slt.u32 s8, $0xFFFFF086  }
0x1c: {  	p1 =	slt.u32 s9, $0xF7A;
	s5 =	simm.s32 @!p2 $0x0  }
0x1d: {  	s5 =	simm.s32 @p1 $0x1;
	p0 =	seq.s32 s7, s2  }
0x1e: {  	s7 =	smul.u32 @!p0 $0xF7A, s2;
	p2 =	seq.s32 @!p0 s5, $0x0  }
0x1f: {  	s9 =	smul.u32 $0xF7A, s1;
	s8 =	simm.s32 @!p0 $0x1BF5;
	p2 =	por !p2, p0  }
0x20: {  	[sflag:s8] =	ssyncset.s32 @!p0 $0xFFFFF086;
	s6 =	sadd.s32 @!p0 s3, s7;
	s7 =	simm.s32 @!p0 $0x108  }
0x21: {  	s3 =	sadd.s32 s3, s9;
	s6 =	sadd.s32 @!p0 $0x88, s6;
	s7 =	simm.s32 @p2 $0x1082  }
0x22: {  	[simem:s7], [sflag:s8] =	dma.local @!p0 [hbm:s6], $0xF7A  }
0x23: {  	s9 =	sor.u32 $0xD0000000, s2;
	s6 =	simm.s32 $0x108;
	_ =	swait.ge @!p0 [sflag:s8], $0x0  }
0x24: {  	s3 =	sadd.s32 $0x88, s3;
	s6 =	simm.s32 @!p1 $0x1082;
	[sflag:s4] =	ssyncset.s32 $0xFFFFF086  }
0x25: {  	[simem:s6], [sflag:s4] =	dma.local [hbm:s3], $0xF7A  }
0x26: {  	[smem:$0x3F9D] =	sst s1;
	(tag) =	ssettag s2;
	_ =	strace s9  }
0x27: {  	s1 =	sld [smem:$0x3FAD]  }
0x28: {  	s2 =	sld [smem:$0x3FAE]  }
0x29: {  	s4 =	sld [smem:$0x3FB0]  }
0x2a: {  	p0 =	seq.s32 s5, $0x0;
	s5 =	sld [smem:$0x3FB1]  }
0x2b: {  	s6 =	sld [smem:$0x3FB2]  }
0x2c: {  	s7 =	sld [smem:$0x3FB3]  }
0x2d: {  	s3 =	simm.s32 $0x108;
	s8 =	sld [smem:$0x3FB4]  }
0x2e: {  	s3 =	simm.s32 @!p0 $0x1082;
	s9 =	sld [smem:$0x3FB5]  }
0x2f: {  	lr =	sadd.s32 s0, s3;
	s0 =	sld [smem:$0x3FAC]  }
0x30: {  	s3 =	sld [smem:$0x3FAF]  }
0x31: {  	[smem:$0x3FB8] =	sst s10  }
0x32: {  	s10 =	sld [smem:$0x3FB6];
	_ =	sdelay $0x3  }
0x33: {  	p0 =	seq.s32 s10, $0x1;
	s10 =	sld [smem:$0x3FB8];
	_ =	sdelay $0x3  }
0x34: {  	[smem:$0x3FB8] =	sst s10  }
0x35: {  	s10 =	sld [smem:$0x3FB7];
	_ =	sdelay $0x3  }
0x36: {  	p1 =	seq.s32 s10, $0x1;
	s10 =	sld [smem:$0x3FB8];
	_ =	sdelay $0x3  }
0x37: {  	[smem:$0x3FB8] =	sst s10  }
0x38: {  	s10 =	sld [smem:$0x3FB9]  }
0x39: {  	_ = 	snop;
	(pc) =	sbr.ind lr, $3  }
0x3a: {  	_ = 	snop  }
0x3b: {  	_ = 	snop  }
0x3c: {  	p2 =	seq.s32 s10, $0x1;
	s10 =	sld [smem:$0x3FB8]  }
0x3d: {  	_ =	shalt  }
0x3e: {  	_ =	shalt  }
0x3f: {  	_ =	shalt  }
0x40: {  	_ =	shalt  }
0x41: {  	_ =	shalt  }
0x42: {  	_ =	shalt  }
0x43: {  	_ =	shalt  }
0x44: {  	_ =	shalt  }
0x45: {  	_ =	shalt  }
0x46: {  	_ =	shalt  }
0x47: {  	_ =	shalt  }
0x48: {  	_ =	shalt  }
0x49: {  	_ =	shalt  }
0x4a: {  	_ =	shalt  }
0x4b: {  	_ =	shalt  }
0x4c: {  	_ =	shalt  }
0x4d: {  	_ =	shalt  }
0x4e: {  	_ =	shalt  }
0x4f: {  	_ =	shalt  }
0x50: {  	_ =	shalt  }
0x51: {  	_ =	shalt  }
0x52: {  	_ =	shalt  }
0x53: {  	_ =	shalt  }
0x54: {  	_ =	shalt  }
0x55: {  	_ =	shalt  }
0x56: {  	_ =	shalt  }
0x57: {  	_ =	shalt  }
0x58: {  	_ =	shalt  }
0x59: {  	_ =	shalt  }
0x5a: {  	_ =	shalt  }
0x5b: {  	_ =	shalt  }
0x5c: {  	_ =	shalt  }
0x5d: {  	_ =	shalt  }
0x5e: {  	_ =	shalt  }
0x5f: {  	_ =	shalt  }
0x60: {  	_ =	shalt  }
0x61: {  	_ =	shalt  }
0x62: {  	_ =	shalt  }
0x63: {  	_ =	shalt  }
0x64: {  	_ =	shalt  }
0x65: {  	_ =	shalt  }
0x66: {  	_ =	shalt  }
0x67: {  	_ =	shalt  }
0x68: {  	_ =	shalt  }
0x69: {  	_ =	shalt  }
0x6a: {  	_ =	shalt  }
0x6b: {  	_ =	shalt  }
0x6c: {  	_ =	shalt  }
0x6d: {  	_ =	shalt  }
0x6e: {  	_ =	shalt  }
0x6f: {  	_ =	shalt  }
0x70: {  	_ =	shalt  }
0x71: {  	_ =	shalt  }
0x72: {  	_ =	shalt  }
0x73: {  	_ =	shalt  }
0x74: {  	_ =	shalt  }
0x75: {  	_ =	shalt  }
0x76: {  	_ =	shalt  }
0x77: {  	_ =	shalt  }
0x78: {  	_ =	shalt  }
0x79: {  	_ =	shalt  }
0x7a: {  	_ =	shalt  }
0x7b: {  	_ =	shalt  }
0x7c: {  	_ =	shalt  }
0x7d: {  	_ =	shalt  }
0x7e: {  	_ =	shalt  }
0x7f: {  	_ =	shalt  }
0x80: {  	_ =	shalt  }
0x81: {  	_ =	shalt  }
0x82: {  	_ =	shalt  }
0x83: {  	_ =	shalt  }
0x84: {  	_ =	shalt  }
0x85: {  	_ =	shalt  }
0x86: {  	_ =	shalt  }
0x87: {  	_ =	shalt  }
.Lfunc_end0:
.L_simem_size_0:
called_computation_lowered:
.L_overlay_start_0:
0x88: {  	s0 =	sld [smem:$0x3FD9]  }
0x89: {  	s1 =	sld [smem:$0x3FFE];
	_ =	sdelay $0x3  }
0x8a: {  	s0 =	sadd.s32 s1, s0  }
0x8b: {  	[smem:$0x3FC4] =	sst s0  }
0x8c: {  	_ = 	snop  }
0x8d: {  	(tm) =	ssettm $0x1  }
0x8e: {  	s15 =	sld [smem:$0x3FFB];
	_ =	sdelay $0x3  }
0x8f: {  	_ =	strace s15  }
0x90: {  	s0 =	sld [smem:$0x3FFC];
	_ =	sdelay $0x3  }
0x91: {  	_ =	strace s0  }
0x92: {  	s0 =	sld [smem:$0x3FFD];
	_ =	sdelay $0x3  }
0x93: {  	_ =	strace s0  }
0x94: {  	_ =	strace $0x8FFFFFFF  }
0x95: {  	s16 =	sld [smem:$0x3FDB];
	_ =	sdelay $0x1  }
0x96: {  	s17 =	simm.s32 $_scs_section_size  }
0x97: {  	s2 =	simm.s32 $_size__tile_overlayer_lowered;
	s3 =	simm.s32 $_tile_overlayer_lowered  }
0x98: {  	s20 =	simm.s32 $0x1BFF;
	s19 =	sshll.u32 s3, $0x1;
	s0 =	sadd.s32 s17, s16  }
0x99: {  	s4 =	simm.s32 $0x0;
	s18 =	sshll.u32 s2, $0x1;
	s2 =	sadd.s32 s19, s0  }
0x9a: {  	[timem:s4], [sflag:s20] =	dma.local [hbm:s2], s18  }
0x9b: {  	_ =	swait.ge [sflag:s20], s18  }
0x9c: {  	s1 =	ssub.s32 $0x0, s18;
	[sflag:s20] =	ssyncset.done $0x0  }
0x9d: {  	[sflag:s20] =	ssyncadd.s32 s1;
	_ =	sdelay $0x1  }
0x9e: {  	s21 =	simm.s32 $0x1B8B  }
0x9f: {  	_ =	swait.ge [sflag:s21], $0x1  }
0xa0: {  	[sflag:s21] =	ssyncset.done $0x0  }
0xa1: {  	s23 =	simm.s32 $0x1B8E;
	s22 =	sld [smem:$0x3FFE];
	[sflag:s21] =	ssyncadd.s32 $0xFFFFFFFF  }
0xa2: {  	s24 =	simm.s32 $execute0_lowered;
	[smem:$0x3FD2] =	sst s23  }
0xa3: {  	s2 =	sshll.u32 s24, $0x1;
	_ =	strace $0x80000046;
	[dreg:$0x1] =	wrdreg $0xFFFFFFFF  }
0xa4: {  	s25 =	simm.s32 $_size_execute0_lowered;
	s0 =	sadd.s32 s0, s2;
	[dreg:$0x0] =	wrdreg $0x0  }
0xa5: {  	s2 =	sshll.u32 s25, $0x1;
	[dreg:$0x2] =	wrdreg s0  }
0xa6: {  	[dreg:$0x3] =	wrdreg s2  }
0xa7: {  	[dreg:$0x4] =	wrdreg $0xC0  }
0xa8: {  	_ =	task [dreg:s4], $0x5FFFF  }
0xa9: {  	[dreg:$0x1] =	wrdreg $0xFFFFFFFF  }
0xaa: {  	[dreg:$0x0] =	wrdreg $0x60  }
0xab: {  	[dreg:$0x2] =	wrdreg s22  }
0xac: {  	[dreg:$0x3] =	wrdreg $0x9  }
0xad: {  	_ =	task.clear_ibuf [dreg:s4], $0x4FFFF;
	_ =	strace $0x90000046  }
0xae: {  	s26 =	simm.s32 $0x9;
	_ =	strace $0x80000048  }
0xaf: {  	_ =	swait.ge [sflag:s26], $0x1  }
0xb0: {  	[sflag:s26] =	ssyncadd.s32 $0xFFFFFFFF  }
0xb1: {  	_ =	strace $0x90000048  }
0xb2: {  	_ =	sfence  }
0xb3: {  	s28 =	sld [smem:$0x0];
	_ =	sdelay $0x1  }
0xb4: {  	s29 =	srdreg.scid  }
0xb5: {  	s30 =	sshll.u32 s29, $0xD;
	s31 =	sshrl.u32 s29, $0x2  }
0xb6: {  	s1 =	sand.u32 $0x1, s29;
	s2 =	sand.u32 $0x4000, s30;
	s0 =	sadd.s32 s31, s28  }
0xb7: {  	s1 =	sor.u32 s2, s1;
	s0 =	sshll.u32 s0, $0x11  }
0xb8: {  	s0 =	sor.u32 s0, s1  }
0xb9: {  	s0 =	sadd.s32 $0x8F2B, s0  }
0xba: {  	[sflag:s0] =	ssyncadd.remote.s32 $0x1  }
0xbb: {  	_ =	sfence.sel $0xFFFF  }
0xbc: {  	[dreg:$0x0] =	wrdreg $0xFFFFFFFF;
	(pc) =	sbr.abs _section_cstart, $3  }
0xbd: {  	[dreg:$0x1] =	wrdreg $0xFFFFFFFF  }
0xbe: {  	_ =	task.clear_ibuf [dreg:s4], $0x2FFFF;
	_ =	strace $0x9FFFFFFF  }
0xbf: {  	(tm) =	ssettm $0x7FFFFFFF  }
tec
execute0_lowered:
.L_overlay_start_1:
0x0: {  	(tag) =	ssettag $0x1  }
0x1: {  	s0 =	rddreg [dreg:$0x0];
	_ =	strace $0x80000047;
	s15 =	stileid.u32  }
0x2: {  	s2 =	simm.s32 $0x1;
	s1 =	smin.u32 s15, $0x8;
	s3 =	sshll.u32 s15, $0x1  }
0x3: {  	v1 =	vimm.s32 $0xFFFFFFFF;
	[sflag:s2] =	ssyncpa.u1 $0x0;
	s1 =	sadd.s32 s1, s3  }
0x4: {  	p0 =	slt.u32 s15, $0x8;
	[tilespmem:$0x10] =	vst v1;
	s4 =	smul.u32 $0x1F40, s1;
	s1 =	simm.s32 $0x5DC0  }
0x5: {  	v0 =	vimm.f32 $0.0e+00;
	[tilespmem:$0x20] =	vst v1;
	s1 =	simm.s32 @!p0 $0x3E80  }
0x6: {  	[tilespmem:$0x30] =	vst v0;
	s1 =	sadd.s32 s1, s4  }
0x7: {  	[tilespmem:$0x40] =	vst v0;
	s5 =	smin.u32 s1, $0x4E200  }
0x8: {  	s7 =	simm.s32 $0x2;
	s8 =	simm.s32 $0x8;
	[tilespmem:$0x50] =	vst v0;
	s9 =	ssub.s32 s5, s4  }
0x9: {  	s31 =	simm.s32 $0x9;
	s16 =	simm.s32 $0x0;
	[tilespmem:$0x60] =	vst v1;
	p0 =	sgt.s32 s9, $0x0  }
0xa: {  	s17 =	simm.s32 $0xF0;
	s18 =	simm.s32 $0xFFFFFFFF;
	[tilespmem:$0x70] =	vst v1;
	s9 =	simm.s32 @!p0 $0x0  }
0xb: {  	s19 =	simm.s32 $0xFFFFC280;
	s20 =	simm.s32 $0xFFFFFFFE;
	[tilespmem:$0x80] =	vst v1;
	s30 =	smulhi.u32 $0x10624DD3, s9  }
0xc: {  	s21 =	simm.s32 $0xF;
	s25 =	simm.s32 $0x0;
	s24 =	simm.s32 $0x0;
	v1 =	vimm.s32 $0x0;
	[tilespmem:$0xB0] =	vst v0  }
0xd: {  	s6 =	sadd.s32 $0x9E00, s0;
	s15 =	sshllo.u32 s15, $0x1;
	[tilespmem:$0x90] =	vst v1;
	s10 =	sshrl.u32 s30, $0x9  }
0xe: {  	[tilespmem:$0xA0] =	vst v1;
	[sflag:s7] =	ssyncpa.u1 $0x0;
	s7 =	simm.s32 $0x7;
	s11 =	smul.u32 $0x1F40, s10  }
.Ltmp0:
0xf: {  	s13 =	sor.u32 $0x80, s3;
	[sflag:s7] =	ssyncpa.u1 $0x0;
	(pc) =	sbr.rel .LBB2_1-.Ltmp0, $4  }
0x10: {  	s14 =	sor.u32 $0x81, s3;
	[sflag:s8] =	ssyncpa.u1 $0x0;
	p0 =	sne.s32 s9, s11  }
0x11: {  	s23 =	smov.u32 s4;
	s1 =	sadd.s32 $0x1DA00, s0;
	s2 =	simm.s32 @!p0 $0x0  }
0x12: {  	vm0 =	vmmov $0xffff;
	v2 =	vlaneseq.u32;
	[sflag:s31] =	ssyncpa.u1 $0x0;
	s9 =	sadd.s32 $0x13C00, s0;
	s10 =	sadd.s32 s2, s10  }
0x13: {  	vm1 =	vmxor vm1, vm1;
	vm2 =	vmmov $0x1;
	vm3 =	vcmask $0x3F3C;
	p0 =	por $0x0, $0x0;
	s11 =	sadd.s32 $0x1, s10;
	s12 =	sadd.s32 $0x2, s10  }
.LBB2_9:
0x14: {  	p1 =	slt.u32 s24, $0x3  }
0x15: {  	s0 =	simm.s32 @!p1 $0x2  }
0x16: {  	_ =	swait.ge @!p1 [sflag:s0], $0x1F40  }
0x17: {  	[sflag:s0] =	ssyncset.done @!p1 $0x0  }
0x18: {  	[sflag:s0] =	ssyncadd.s32 @!p1 $0xFFFFE0C0;
	s0 =	simm.s32 @!p1 $0x9  }
0x19: {  	_ =	swait.ge @!p1 [sflag:s0], $0x10  }
0x1a: {  	[sflag:s0] =	ssyncset.done @!p1 $0x0  }
0x1b: {  	[sflag:s0] =	ssyncadd.s32 @!p1 $0xFFFFFFF0;
	p1 =	sne.s32 s24, s12  }
.Ltmp1:
0x1c: {  	s2 =	sadd.s32 $0x1F40, s23;
	(pc) =	sbr.rel @!p1 .LBB2_10-.Ltmp1, $4  }
0x1d: {  	s22 =	smov.u32 s4;
	s31 =	sadd.s32 $0x1, s24;
	s17 =	sadd.s32 $0x1F40, s17  }
0x1e: {  	s18 =	sadd.s32 $0x1, s18;
	s25 =	smov.u32 s23;
	p2 =	slt.s32 s2, s5  }
0x1f: {  	p0 =	por !p0, !p0;
	s19 =	sadd.s32 $0x1F40, s19;
	s22 =	smov.u32 @p2 s2  }
0x20: {  	s20 =	sadd.s32 $0x1, s20;
	s23 =	smov.u32 s22;
	s24 =	smov.u32 s31  }
.LBB2_1:
0x21: {  	p1 =	sge.u32 s24, s10  }
0x22: {  	s0 =	smulhi.u32 @!p1 $0xAAAAAAAB, s24;
	_ =	sdelay $0x1  }
0x23: {  	s0 =	sshrl.u32 @!p1 s0, $0x1  }
0x24: {  	s0 =	smul.u32 @!p1 $0x3, s0;
	_ =	sdelay $0x1  }
0x25: {  	s0 =	ssub.s32 @!p1 s24, s0  }
0x26: {  	s0 =	smul.u32 @!p1 $0x7D00, s0;
	_ =	sdelay $0x1  }
0x27: {  	s2 =	sshrl.u32 @!p1 s23, $0x3;
	s0 =	sshrl.u32 @!p1 s0, $0x2  }
0x28: {  	s22 =	sand.u32 @!p1 $0x7, s23;
	s2 =	sadd.s32 @!p1 s6, s2;
	s0 =	sadd.s32 @!p1 $0x100, s0  }
0x29: {  	[tilespmem:s0], [sflag:$0x7] =	stream.linear.gather @!p1 [hbm4b:s2+s22], $0x1F40, $0x38;
	[tilespmem:$0x11A60] =	vst v63  }
0x2a: {  	s0 =	sadd.s32 $0xFFFFFFFF, s24  }
0x2b: {  	p1 =	sge.u32 s0, s10  }
.Ltmp2:
0x2c: {  	_ = 	snop;
	(pc) =	sbr.rel @p1 .LBB2_5-.Ltmp2, $1  }
0x2d: {  	_ =	sdelay $0x3  }
0x2e: {  	s2 =	smulhi.u32 $0xAAAAAAAB, s0;
	_ =	sdelay $0x1  }
0x2f: {  	s2 =	sshrl.u32 s2, $0x1  }
0x30: {  	s2 =	smul.u32 $0x3, s2;
	_ =	sdelay $0x1  }
0x31: {  	s2 =	ssub.s32 s0, s2  }
0x32: {  	s2 =	smul.u32 $0x7D00, s2  }
0x33: {  	_ =	swait.ge [sflag:s7], $0x1F40  }
0x34: {  	[sflag:s7] =	ssyncset.done $0x0;
	s2 =	sshrl.u32 s2, $0x2  }
0x35: {  	[sflag:s7] =	ssyncadd.s32 $0xFFFFE0C0;
	(ifvalue) =	ssetifvalue $0xFFFFFFFF;
	v3 =	vld.msk [tilespmem:s2+$0x100 ss:$0x1], $0xffff;
	_ =	sdelay $0x2  }
0x36: {  	s30 =	smulhi.u32 $0xAAAAAAAB, s18;
	p1 =	sne.s32 s24, $0x1  }
0x37: {  	v4 =	vimm.s32 @!p1 $0x0  }
0x38: {  	s2 =	sshrl.u32 s30, $0x1;
	v4 =	vperm.xlane @!p1 v3, v4  }
0x39: {  	s22 =	sshll.u32 s24, $0x4;
	s2 =	smul.u32 $0xFFFE8900, s2;
	vm4 =	vlt.u32 v3, $0x2800  }
0x3a: {  	s22 =	sand.u32 $0x10, s22;
	v3 =	vnsel vm4, $0xFFFFFFFE, v3;
	vm4 =	vlt.u32 @!p1 v4, $0x2800  }
0x3b: {  	s2 =	sshra.s32 s2, $0x2;
	[tilespmem:s22+$0x60] =	vst v3;
	v3 =	vnsel @!p1 vm4, $0xFFFFFFFE, v4  }
0x3c: {  	s28 =	sadd.s32 s2, s17;
	[tilespmem:$0x80] =	vst @!p1 v3  }
0x3d: {  	v3 =	vld.msk [tilespmem:s28+$0x0 ss:$0x1], $0xffff;
	_ =	sdelay $0x4  }
0x3e: {  	(xrf1) =	vunique.msk.u32 $0xffff, v3;
	_ =	sdelay $0xd  }
0x3f: {  	v4 =	vimm.s32 $0xFFFFFFFF;
	v5, _, _ =	vpop (xrf1)  }
0x40: {  	vm5 =	vne.s32 v3, v4;
	vm4 =	veq.s32 v5, v2  }
0x41: {  	vm6 =	vlt.u32 v3, $0x2800;
	vm4 =	vmand vm5, vm4  }
0x42: {  	vm4 =	vmand vm6, vm4  }
0x43: {  	v4 =	vnsel vm4, $0xFFFFFFFF, v3  }
0x44: {  	s31 =	sand.u32 $0x1, s0  }
0x45: {  	s0 =	simm.s32 $0x1F40;
	p1 =	seq.s32 s31, $0x1  }
0x46: {  	s0 =	simm.s32 @!p1 $0x0  }
0x47: {  	s26 =	sadd.s32 $0x7DF0, s0;
	(ifvalue) =	ssetifvalue $0xFFFFFFFF  }
0x48: {  	v3 =	vperm.xlane v3, v1;
	[tilespmem:s26], [sflag:$0x8] =	stream.indirect_vreg.gather [hbm4b:s1+s16], $0x1, v4, vm0, $0x4038;
	v4 =	vnsel vm6, $0xFFFFFFFE, v4;
	[tilespmem:$0x11A60] =	vst v63  }
0x49: {  	s2 =	simm.s32 $0x0;
	s22 =	sadd.s32 $0xFFFFFFF0, s28;
	[tilespmem:s28+$0x0] =	vst v4  }
.LBB2_3:
0x4a: {  	v4 =	vld.msk [tilespmem:s22+$0x0 ss:$0x1], $0xffff;
	s2 =	sadd.s32 $0x10, s2;
	v5 =	vmov v3;
	s28 =	smov.u32 s22  }
0x4b: {  	p1 =	slt.u32 s2, $0x1F30;
	_ =	sdelay $0x4  }
0x4c: {  	v3 =	vperm.xlane v4, v1;
	(xrf1) =	vunique.msk.u32 $0xffff, v4;
	_ =	sdelay $0xd  }
0x4d: {  	v6, _, _ =	vpop (xrf1)  }
0x4e: {  	vm5 =	vne.s32 v4, v5;
	vm4 =	veq.s32 v6, v2  }
0x4f: {  	vm6 =	vlt.u32 v4, $0x2800;
	vm4 =	vmand vm5, vm4  }
0x50: {  	vm4 =	vmand vm6, vm4  }
0x51: {  	v4 =	vnsel vm4, $0xFFFFFFFF, v4  }
.Ltmp3:
0x52: {  	v5 =	vnsel vm6, $0xFFFFFFFE, v4;
	(pc) =	sbr.rel @p1 .LBB2_3-.Ltmp3, $3  }
0x53: {  	_ =	sdelay $0x1  }
0x54: {  	s22 =	sadd.s32 $0xFFFFFFF0, s22;
	s26 =	sadd.s32 $0xFFFFFFF0, s26;
	(ifvalue) =	ssetifvalue $0xFFFFFFFF  }
0x55: {  	[tilespmem:s26], [sflag:$0x8] =	stream.indirect_vreg.gather [hbm4b:s1+s16], $0x1, v4, vm0, $0x4038;
	[tilespmem:s28+$0x0] =	vst v5  }
0x56: {  	s2 =	sshrl.u32 s25, $0x3  }
0x57: {  	s0 =	sadd.s32 $0x9D40, s0;
	s2 =	sadd.s32 s9, s2  }
0x58: {  	[tilespmem:s0], [sflag:$0x8] =	stream.linear.gather [hbm:s2], $0x1F40, $0x38;
	[tilespmem:$0x11A60] =	vst v63  }
.LBB2_5:
0x59: {  	p1 =	slt.u32 s24, $0x2  }
0x5a: {  	p2 =	sge.u32 @!p1 s24, s12  }
0x5b: {  	p1 =	por p1, p2  }
.Ltmp4:
0x5c: {  	_ = 	snop;
	(pc) =	sbr.rel @p1 .LBB2_9-.Ltmp4, $1  }
0x5d: {  	_ =	sdelay $0x3  }
0x5e: {  	s0 =	sadd.s32 $0xFFFFFFFE, s24  }
0x5f: {  	s2 =	smulhi.u32 $0xAAAAAAAB, s0;
	_ =	sdelay $0x1  }
0x60: {  	s2 =	sshrl.u32 s2, $0x1  }
0x61: {  	s2 =	smul.u32 $0x3, s2;
	_ =	sdelay $0x1  }
0x62: {  	s0 =	ssub.s32 s0, s2  }
0x63: {  	_ =	swait.ge [sflag:s8], $0x3E80;
	s0 =	smul.u32 $0x1F40, s0  }
0x64: {  	p1 =	sne.s32 s24, s11;
	[sflag:s8] =	ssyncset.done $0x0  }
0x65: {  	[sflag:s8] =	ssyncadd.s32 $0xFFFFC180;
	s2 =	sadd.s32 @!p1 $0x203F, s0  }
0x66: {  	[spmem:s14] =	stream.linear.scatter @!p1 [tilespmem:s2], [sflag:$0x1], $0x1, $0x38;
	[tilespmem:$0x11A60] =	vst v63  }
0x67: {  	s2 =	simm.s32 @!p1 $0x1  }
0x68: {  	_ =	swait.ge @!p1 [sflag:s2], $0x1  }
0x69: {  	s22 =	sshll.u32 s24, $0x4;
	[sflag:s2] =	ssyncset.done @!p1 $0x0  }
0x6a: {  	s25 =	sand.u32 $0x10, s22;
	[sflag:s2] =	ssyncadd.s32 @!p1 $0xFFFFFFFF  }
0x6b: {  	s2 =	sxor.u32 $0x10, s25;
	v4 =	vld [tilespmem:s25+$0x10]  }
0x6c: {  	v5 =	vld [tilespmem:s2+$0x60]  }
0x6d: {  	v3 =	vld [tilespmem:$0x80];
	_ =	sdelay $0x2  }
0x6e: {  	(v2sf) =	vpush v4, $0x0  }
0x6f: {  	(v2sf) =	vpush v5, $0x0  }
0x70: {  	(v2sf) =	vpush v3, $0x0;
	_ =	sdelay $0xc  }
0x71: {  	s22 =	spop (v2sf)  }
0x72: {  	s26 =	spop (v2sf)  }
0x73: {  	s28 =	spop (v2sf)  }
0x74: {  	p2 =	seq.s32 s22, s26;
	p3 =	seq.s32 s28, s22  }
0x75: {  	p3 =	por p2, p3  }
0x76: {  	s26 =	sand.u32 $0x1, s24;
	v4 =	vpsel p3, $0xFFFFFFFF, v4  }
0x77: {  	s29 =	smul.u32 $0x1F40, s26;
	[tilespmem:s25+$0x10] =	vst.msk $0x1, v4  }
0x78: {  	v4 =	vld [tilespmem:$0x30]  }
0x79: {  	v5 =	vld [tilespmem:s29+$0x9D40]  }
0x7a: {  	v6 =	vld [tilespmem:s25+$0x40];
	_ =	sdelay $0x3  }
0x7b: {  	vm4 =	vmmov vm1;
	v5 =	vadd.f32 v5, v4  }
0x7c: {  	vm5 =	vmmov vm2;
	vm4 =	vmmov @p2 vm2;
	s22 =	sshll.u32 s26, $0x4;
	v4 =	vadd.f32 v6, v4  }
0x7d: {  	s26 =	sor.u32 $0x11A40, s22;
	vm5 =	vmmov @p3 vm1;
	[tilespmem:s29+$0x9D40] =	vst.msk vm4, v5  }
0x7e: {  	[tilespmem:s26+$0x0] =	vst.msk vm5, v4  }
0x7f: {  	v4 =	vld [tilespmem:s29+$0x7DF0];
	_ =	sdelay $0x3  }
0x80: {  	v5 =	vimm.f32 $0.0e+00  }
0x81: {  	v4 =	vshift.insert v4, v5, s21  }
0x82: {  	s22 =	sor.u32 $0x40, s2  }
0x83: {  	[tilespmem:s22+$0x0] =	vst.msk $0x1, v4  }
0x84: {  	[tilespmem:s29+$0x7DFF] =	vst.msk $0x1, v5  }
0x85: {  	v4 =	vld [tilespmem:s0+$0x2030];
	_ =	sdelay $0x1  }
0x86: {  	s22 =	smulhi.u32 $0xAAAAAAAB, s20;
	s0 =	simm.s32 $0x1  }
0x87: {  	s0 =	simm.s32 @!p0 $0x0  }
0x88: {  	s22 =	sshrl.u32 s22, $0x1;
	s0 =	smul.u32 $0x7D00, s0  }
0x89: {  	s22 =	smul.u32 $0xFFFE8900, s22;
	v4 =	vshift.insert v4, v1, s21  }
0x8a: {  	s0 =	sshrl.u32 s0, $0x2  }
0x8b: {  	s22 =	sshra.s32 s22, $0x2;
	s30 =	sadd.s32 $0x9D40, s0;
	[tilespmem:s2+$0x10] =	vst.msk $0x1, v4  }
0x8c: {  	s22 =	sadd.s32 s22, s19;
	v6 =	vld [tilespmem:s30+$0x0]  }
0x8d: {  	v7 =	vld [tilespmem:s22+$0x0];
	_ =	sdelay $0x3  }
0x8e: {  	v5 =	vadd.f32 v6, v5  }
0x8f: {  	vm4 =	vne.s32 v7, $0xFFFFFFFF  }
0x90: {  	(xrf2) =	vadd.seg.scan.f32 vm4, v5;
	_ =	sdelay $0x3  }
0x91: {  	s31 =	sadd.s32 $0x5EC0, s0;
	v5 =	vperm.xlane v4, v1  }
0x92: {  	v6 =	vld [tilespmem:s31+$0x0]  }
0x93: {  	vm5 =	veq.s32 v7, v3;
	vm6 =	veq.s32 v7, v5  }
0x94: {  	vm7 =	vgt.u32 v7, $0xFFFFFFFD;
	vm6 =	vmor vm6, vm5  }
0x95: {  	vm6 =	vmor vm6, vm7  }
0x96: {  	v9 =	vld [tilespmem:$0xA0];
	v7 =	vsel vm6, $0xFFFFFFFF, v7  }
0x97: {  	v10 =	vld [tilespmem:$0x90];
	v6 =	vsel vm5, $0x0, v6;
	v8, _, _ =	vpop (xrf2)  }
0x98: {  	v6 =	vadd.f32 v8, v6  }
0x99: {  	s0 =	sadd.s32 $0xDBC0, s0  }
0x9a: {  	vm4 =	vmand vm4, vm3;
	[tilespmem:s0+$0x0] =	vst v6;
	(ifvalue) =	ssetifvalue $0xFFFFFFFF  }
0x9b: {  	vm6 =	veq.s32 v9, $0x1;
	[hbm4b:s1+s16] =	stream.indirect_vreg.scatter [tilespmem:s0], [sflag:$0x2], $0x1, v7, vm0, $0x4038;
	v7 =	vsel vm4, $0x0, v8;
	[tilespmem:$0x11A60] =	vst v63  }
0x9c: {  	s2 =	simm.s32 $0x0;
	s22 =	sadd.s32 $0x10, s22;
	vm4 =	vmor vm6, vm5;
	v6 =	vsel vm5, v8, v10;
	v7 =	vshift.insert v7, v0, s21  }
.LBB2_7:
0x9d: {  	v8 =	vld [tilespmem:s22+$0x0];
	s30 =	sadd.s32 $0x10, s30  }
0x9e: {  	s31 =	sadd.s32 $0x10, s31;
	v9 =	vld [tilespmem:s30+$0x0]  }
0x9f: {  	s2 =	sadd.s32 $0x10, s2;
	v10 =	vld [tilespmem:s31+$0x0]  }
0xa0: {  	p2 =	slt.u32 s2, $0x1F30;
	_ =	sdelay $0x2  }
0xa1: {  	v7 =	vadd.f32 v9, v7  }
0xa2: {  	vm5 =	vne.s32 v8, $0xFFFFFFFF  }
0xa3: {  	vm6 =	vmand vm5, vm3;
	(xrf2) =	vadd.seg.scan.f32 vm5, v7;
	_ =	sdelay $0x5  }
0xa4: {  	vm7 =	veq.s32 v8, v5;
	vm5 =	veq.s32 v8, v3  }
0xa5: {  	vm8 =	vgt.u32 v8, $0xFFFFFFFD;
	vm4 =	vmor vm4, vm5;
	vm7 =	vmor vm7, vm5  }
0xa6: {  	vm7 =	vmor vm7, vm8  }
0xa7: {  	v8 =	vsel vm7, $0xFFFFFFFF, v8  }
.Ltmp5:
0xa8: {  	v7 =	vsel vm5, $0x0, v10;
	v9, _, _ =	vpop (xrf2);
	(pc) =	sbr.rel @p2 .LBB2_7-.Ltmp5, $4  }
0xa9: {  	v6 =	vsel vm5, v9, v6;
	v10 =	vadd.f32 v9, v7;
	v7 =	vsel vm6, $0x0, v9  }
0xaa: {  	s0 =	sadd.s32 $0x10, s0;
	v7 =	vshift.insert v7, v0, s21  }
0xab: {  	s22 =	sadd.s32 $0x10, s22;
	[tilespmem:s0+$0x0] =	vst v10;
	(ifvalue) =	ssetifvalue $0xFFFFFFFF  }
0xac: {  	[hbm4b:s1+s16] =	stream.indirect_vreg.scatter [tilespmem:s0], [sflag:$0x2], $0x1, v8, vm0, $0x4038;
	[tilespmem:$0x11A60] =	vst v63  }
0xad: {  	v3 =	vld [tilespmem:s29+$0xFAF0];
	_ =	sdelay $0x4  }
0xae: {  	v3 =	vshift.insert v3, v0, s21  }
0xaf: {  	s0 =	simm.s32 $0x30  }
0xb0: {  	[tilespmem:s0+$0x0] =	vst.msk $0x1, v3  }
0xb1: {  	v3 =	vsel vm4, $0x1, v1;
	[tilespmem:$0x90] =	vst v6  }
0xb2: {  	s0 =	sadd.s32 @!p1 $0xFAFF, s29;
	[tilespmem:$0xA0] =	vst v3  }
0xb3: {  	[spmem:s15] =	stream.linear.scatter @!p1 [tilespmem:s0], [sflag:$0x1], $0x1, $0x38;
	[tilespmem:$0x11A60] =	vst v63  }
0xb4: {  	s0 =	simm.s32 @!p1 $0x1  }
0xb5: {  	v3 =	vmctz.xlane @!p1 vm4;
	_ =	swait.ge @!p1 [sflag:s0], $0x1  }
0xb6: {  	(v2sf) =	vpush @!p1 v4, $0x0  }
0xb7: {  	(v2sf) =	vpush @!p1 v3, $0x0;
	_ =	sdelay $0xd  }
0xb8: {  	s2 =	spop @!p1 (v2sf)  }
0xb9: {  	s22 =	spop @!p1 (v2sf)  }
0xba: {  	p2 =	sne.s32 @!p1 s28, s2;
	p3 =	slt.s32 @!p1 s22, $0xF  }
0xbb: {  	[sflag:s0] =	ssyncset.done @!p1 $0x0;
	p2 =	por p2, p1;
	p3 =	por !p3, p1  }
0xbc: {  	[sflag:s0] =	ssyncadd.s32 @!p1 $0xFFFFFFFF;
	v3 =	vimm.s32 @!p2 $0xFFFFFFFF;
	s22 =	simm.s32 @p3 $0xF  }
0xbd: {  	[tilespmem:$0x80] =	vst @!p2 v3;
	s2 =	sadd.s32 @!p1 $0x90, s22  }
0xbe: {  	[spmem:s3] =	stream.linear.scatter @!p1 [tilespmem:s2], [sflag:$0x1], $0x1, $0x38;
	[tilespmem:$0x11A60] =	vst v63  }
0xbf: {  	_ =	swait.ge @!p1 [sflag:s0], $0x1  }
0xc0: {  	[sflag:s0] =	ssyncset.done @!p1 $0x0  }
0xc1: {  	s2 =	simm.s32 @!p1 $0x80;
	[sflag:s0] =	ssyncadd.s32 @!p1 $0xFFFFFFFF  }
0xc2: {  	[spmem:s13] =	stream.linear.scatter @!p1 [tilespmem:s2], [sflag:$0x1], $0x1, $0x38;
	[tilespmem:$0x11A60] =	vst v63  }
0xc3: {  	_ =	swait.ge @!p1 [sflag:s0], $0x1  }
0xc4: {  	[sflag:s0] =	ssyncset.done @!p1 $0x0  }
0xc5: {  	[sflag:s0] =	ssyncadd.s32 @!p1 $0xFFFFFFFF;
	(ifvalue) =	ssetifvalue $0xFFFFFFFF;
	v3 =	vld [tilespmem:s25+$0x10];
	_ =	sdelay $0x3  }
.Ltmp6:
0xc6: {  	_ = 	snop;
	(pc) =	sbr.rel .LBB2_9-.Ltmp6, $3  }
0xc7: {  	_ =	sdelay $0x1  }
0xc8: {  	(ifvalue) =	ssetifvalue $0xFFFFFFFF  }
0xc9: {  	[hbm4b:s1+s16] =	stream.indirect_vreg.scatter [tilespmem:s26], [sflag:$0x9], $0x1, v3, vm0, $0x4038;
	[tilespmem:$0x11A60] =	vst v63  }
.LBB2_10:
0xca: {  	_ =	sfence.sel $0x180000  }
0xcb: {  	s0 =	simm.s32 $0x7;
	[bflag:$0x0] =	sbarrier.arrive $0xFFFF  }
0xcc: {  	s26 =	simm.s32 $0x8;
	[sflag:s0] =	ssyncpa.u1 $0x1  }
0xcd: {  	s28 =	simm.s32 $0x9;
	[sflag:s26] =	ssyncpa.u1 $0x1  }
0xce: {  	[sflag:s28] =	ssyncpa.u1 $0x1  }
0xcf: {  	_ =	sfence.stream.spmem  }
0xd0: {  	s29 =	simm.s32 $0x3;
	[bflag:$0x0] =	sbarrier.arrive $0xFFFF  }
0xd1: {  	s30 =	simm.s32 $0x4;
	[sflag:s29] =	ssyncpa.u1 $0x1  }
0xd2: {  	s31 =	simm.s32 $0x3C;
	s2 =	stileid.u32;
	[sflag:s30] =	ssyncpa.u1 $0x1  }
0xd3: {  	p0 =	sne.s32 s2, $0x0;
	[sflag:s31] =	ssyncpa.u1 $0x1  }
0xd4: {  	s0 =	simm.s32 @p0 $0x1;
	_ =	sfence @p0  }
0xd5: {  	[sflag:s0] =	ssyncpa.u1 @p0 $0x1;
	s0 =	simm.s32 @p0 $0x2  }
0xd6: {  	[sflag:s0] =	ssyncpa.u1 @p0 $0x1  }
0xd7: {  	_ =	strace @p0 $0x90000047  }
0xd8: {  	[bflag:$0x2] =	sbarrier.arrive @p0 $0xFFFF  }
0xd9: {  	_ =	shalt @p0  }
.LBB2_11:
0xda: {  	_ =	sfence.stream.spmem;
	s0 =	simm.s32 $0x5  }
0xdb: {  	s2 =	simm.s32 $0x80;
	s3 =	simm.s32 $0xC0;
	[sflag:s0] =	ssyncpa.u1 $0x0  }
0xdc: {  	[tilespmem:s3], [sflag:$0x5] =	stream.linear.gather [spmem:s2], $0x20, $0x38;
	[tilespmem:$0x11A60] =	vst v63  }
0xdd: {  	s2 =	simm.s32 $0x0;
	s3 =	simm.s32 $0xE0  }
0xde: {  	[tilespmem:s3], [sflag:$0x5] =	stream.linear.gather [spmem:s2], $0x20, $0x38;
	[tilespmem:$0x11A60] =	vst v63  }
.Ltmp7:
0xdf: {  	_ = 	snop;
	(pc) =	sbr.rel .LBB2_12-.Ltmp7, $4  }
0xe0: {  	_ =	swait.ge [sflag:s0], $0x40  }
0xe1: {  	[sflag:s0] =	ssyncset.done $0x0  }
0xe2: {  	s31 =	simm.s32 $0x6;
	[sflag:s0] =	ssyncadd.s32 $0xFFFFFFC0  }
0xe3: {  	s4 =	simm.s32 $0x0;
	[sflag:s31] =	ssyncpa.u1 $0x0  }
.LBB2_17:
0xe4: {  	p0 =	sgt.u32 s5, $0x27FF  }
0xe5: {  	s0 =	sshrl.u32 @!p0 s5, $0x3  }
0xe6: {  	s5 =	sand.u32 @!p0 $0x7, s5;
	s6 =	simm.s32 @!p0 $0xB0;
	s0 =	sadd.s32 @!p0 s1, s0  }
0xe7: {  	[tilespmem:s6], [sflag:$0x6] =	stream.linear.gather @!p0 [hbm4b:s0+s5], $0x1, $0x38;
	[tilespmem:$0x11A60] =	vst v63  }
0xe8: {  	s0 =	simm.s32 @!p0 $0x6  }
0xe9: {  	_ =	swait.ge @!p0 [sflag:s0], $0x1  }
0xea: {  	[sflag:s0] =	ssyncset.done @!p0 $0x0  }
0xeb: {  	[sflag:s0] =	ssyncadd.s32 @!p0 $0xFFFFFFFF  }
0xec: {  	v2 =	vmov @!p0 s4;
	v1 =	vld.msk @!p0 [tilespmem:$0xB0], $0x1;
	_ =	sdelay $0x3  }
0xed: {  	s0 =	simm.s32 @!p0 $0xE0  }
0xee: {  	[tilespmem:v2+s0+$0x0], v1 =	vst.idx.ret.add.f32.msk @!p0 $0x1, v1  }
0xef: {  	[tilespmem:s2+$0xC0] =	vst.msk $0x1, v0  }
0xf0: {  	v0 =	vld.msk [tilespmem:s4+$0xE0], $0x1;
	_ =	sdelay $0x4  }
0xf1: {  	[tilespmem:s2+$0xE0] =	vst.msk $0x1, v0;
	s2 =	sadd.s32 $0x1, s2  }
.LBB2_19:
0xf2: {  	s4 =	sadd.s32 $0x1, s4  }
0xf3: {  	p0 =	sne.s32 s4, $0x20  }
.Ltmp8:
0xf4: {  	_ = 	snop;
	(pc) =	sbr.rel @!p0 .LBB2_20-.Ltmp8, $1  }
0xf5: {  	_ =	sdelay $0x3  }
.LBB2_12:
0xf6: {  	v0 =	vld.msk [tilespmem:s4+$0xC0], $0x1;
	_ =	sdelay $0x4  }
0xf7: {  	(v2sf) =	vpush v0, $0x0;
	_ =	sdelay $0xe  }
0xf8: {  	s5 =	spop (v2sf)  }
0xf9: {  	p0 =	seq.s32 s5, $0xFFFFFFFF  }
.Ltmp9:
0xfa: {  	_ = 	snop;
	(pc) =	sbr.rel @p0 .LBB2_19-.Ltmp9, $1  }
0xfb: {  	_ =	sdelay $0x3  }
0xfc: {  	p0 =	slt.s32 s2, $0x1  }
.Ltmp10:
0xfd: {  	_ = 	snop;
	(pc) =	sbr.rel @p0 .LBB2_17-.Ltmp10, $1  }
0xfe: {  	_ =	sdelay $0x3  }
0xff: {  	s0 =	simm.s32 $0xC0;
	p0 =	por $0x0, $0x0  }
0x100: {  	v1 =	vld.msk @!p0 [tilespmem:s0+$0x0], $0x1;
	_ =	sdelay $0x4  }
0x101: {  	(v2sf) =	vpush @!p0 v1, $0x0;
	_ =	sdelay $0xd  }
0x102: {  	p2 =	sne.s32 s2, $0x1  }
.Ltmp11:
0x103: {  	s6 =	spop @!p0 (v2sf);
	(pc) =	sbr.rel @!p2 .LBB2_16-.Ltmp11, $4  }
0x104: {  	p1 =	seq.s32 @!p0 s5, s6  }
0x105: {  	s6 =	simm.s32 $0x0;
	p1 =	por !p1, p0  }
0x106: {  	s8 =	simm.s32 $0xFFFFFFFF;
	s6 =	simm.s32 @p1 $0xFFFFFFFF  }
0x107: {  	s7 =	simm.s32 $0x1;
	s6 =	smov.u32 @p0 s8  }
.LBB2_15:
0x108: {  	s8 =	smov.u32 s6;
	p0 =	sne.s32 s6, $0xFFFFFFFF  }
0x109: {  	s0 =	sadd.s32 $0x1, s0;
	s6 =	smov.u32 s7;
	s7 =	sadd.s32 $0x1, s7  }
0x10a: {  	p1 =	sne.s32 s2, s7;
	v1 =	vld.msk @!p0 [tilespmem:s0+$0x0], $0x1;
	_ =	sdelay $0x4  }
0x10b: {  	(v2sf) =	vpush @!p0 v1, $0x0;
	_ =	sdelay $0xe  }
.Ltmp12:
0x10c: {  	s9 =	spop @!p0 (v2sf);
	(pc) =	sbr.rel @p1 .LBB2_15-.Ltmp12, $4  }
0x10d: {  	p2 =	seq.s32 @!p0 s5, s9  }
0x10e: {  	p2 =	por !p2, p0  }
0x10f: {  	s6 =	simm.s32 @p2 $0xFFFFFFFF  }
0x110: {  	s6 =	smov.u32 @p0 s8  }
.LBB2_16:
0x111: {  	p0 =	sne.s32 s6, $0xFFFFFFFF  }
.Ltmp13:
0x112: {  	_ = 	snop;
	(pc) =	sbr.rel @!p0 .LBB2_17-.Ltmp13, $1  }
0x113: {  	_ =	sdelay $0x3  }
0x114: {  	v0 =	vld.msk [tilespmem:s4+$0xE0], $0x1;
	v1 =	vmov s6  }
.Ltmp14:
0x115: {  	_ = 	snop;
	(pc) =	sbr.rel .LBB2_19-.Ltmp14, $2  }
0x116: {  	_ =	sdelay $0x2  }
0x117: {  	[tilespmem:v1+s3+$0x0], v0 =	vst.idx.ret.add.f32.msk $0x1, v0  }
.LBB2_20:
0x118: {  	p0 =	slt.s32 s2, $0x1  }
.Ltmp15:
0x119: {  	_ = 	snop;
	(pc) =	sbr.rel @p0 .LBB2_24-.Ltmp15, $3  }
0x11a: {  	_ =	sdelay $0x1  }
0x11b: {  	s0 =	simm.s32 $0x6  }
0x11c: {  	s3 =	simm.s32 $0x0;
	[sflag:s0] =	ssyncpa.u1 $0x1  }
0x11d: {  	s0 =	simm.s32 $0xC0  }
0x11e: {  	v0 =	vld.msk [tilespmem:s0+$0x0], $0x1;
	_ =	sdelay $0x4  }
0x11f: {  	(v2sf) =	vpush v0, $0x0;
	_ =	sdelay $0xe  }
0x120: {  	s2 =	sadd.s32 $0xFFFFFFFF, s2;
	s4 =	spop (v2sf)  }
0x121: {  	p1 =	sne.s32 s2, $0x0;
	p0 =	sgt.u32 s4, $0x27FF  }
.Ltmp16:
0x122: {  	s5 =	sshrl.u32 @!p0 s4, $0x3;
	(pc) =	sbr.rel @!p1 .LBB2_23-.Ltmp16, $4  }
0x123: {  	s0 =	simm.s32 $0xE0;
	s4 =	sand.u32 @!p0 $0x7, s4;
	s5 =	sadd.s32 @!p0 s1, s5  }
0x124: {  	[hbm4b:s5+s4] =	stream.linear.scatter @!p0 [tilespmem:s0], [sflag:$0x5], $0x1, $0x38;
	[tilespmem:$0x11A60] =	vst v63  }
0x125: {  	s5 =	simm.s32 $0x0  }
0x126: {  	s4 =	simm.s32 $0xC1;
	s5 =	simm.s32 @!p0 $0x4  }
.LBB2_22:
0x127: {  	v0 =	vld.msk [tilespmem:s4+$0x0], $0x1;
	s2 =	sadd.s32 $0xFFFFFFFF, s2;
	s3 =	sadd.s32 s3, s5  }
0x128: {  	p0 =	sne.s32 s2, $0x0;
	_ =	sdelay $0x3  }
0x129: {  	(v2sf) =	vpush v0, $0x0;
	_ =	sdelay $0xe  }
.Ltmp17:
0x12a: {  	s6 =	spop (v2sf);
	(pc) =	sbr.rel @p0 .LBB2_22-.Ltmp17, $4  }
0x12b: {  	s5 =	simm.s32 $0x0;
	p1 =	sgt.u32 s6, $0x27FF  }
0x12c: {  	s0 =	sadd.s32 $0x1, s0;
	s5 =	simm.s32 @!p1 $0x4;
	s7 =	sshrl.u32 @!p1 s6, $0x3  }
0x12d: {  	s4 =	sadd.s32 $0x1, s4;
	s6 =	sand.u32 @!p1 $0x7, s6;
	s7 =	sadd.s32 @!p1 s1, s7  }
0x12e: {  	[hbm4b:s7+s6] =	stream.linear.scatter @!p1 [tilespmem:s0], [sflag:$0x5], $0x1, $0x38;
	[tilespmem:$0x11A60] =	vst v63  }
.LBB2_23:
0x12f: {  	s0 =	sadd.s32 s3, s5  }
0x130: {  	s3 =	sshrl.u32 s0, $0x2  }
.LBB2_24:
0x131: {  	s0 =	simm.s32 $0x5  }
0x132: {  	_ =	swait.ge [sflag:s0], s3  }
0x133: {  	s1 =	ssub.s32 $0x0, s3;
	[sflag:s0] =	ssyncset.done $0x0  }
0x134: {  	[sflag:s0] =	ssyncadd.s32 s1  }
0x135: {  	[sflag:s0] =	ssyncpa.u1 $0x1  }
0x136: {  	s29 =	simm.s32 $0x1;
	_ =	sfence  }
0x137: {  	s30 =	simm.s32 $0x2;
	[sflag:s29] =	ssyncpa.u1 $0x1  }
0x138: {  	[sflag:s30] =	ssyncpa.u1 $0x1  }
0x139: {  	_ =	strace $0x90000047  }
0x13a: {  	[bflag:$0x2] =	sbarrier.arrive $0xFFFF  }
0x13b: {  	s31 =	rddreg [dreg:$0x1]  }
0x13c: {  	s0 =	sadd.s32 $0x100000, s31  }
0x13d: {  	[sflag:s0] =	ssyncadd.tile.s32 $0x1;
	_ =	shalt  }
.Lfunc_end2:
_tile_overlayer_lowered:
.L_overlay_start_2:
0x13e: {  	(tag) =	ssettag $0x2  }
0x13f: {  	s0 =	rddreg [dreg:$0x0];
	s2 =	stileid.u32  }
0x140: {  	s1 =	rddreg [dreg:$0x1];
	p0 =	sne.s32 s2, $0x0  }
0x141: {  	s3 =	rddreg [dreg:$0x2];
	[bflag:$0x3] =	sbarrier.arrive $0xFFFF;
	s2 =	simm.s32 @!p0 $0x1C01  }
0x142: {  	[timem:s3], [sflag:s2] =	dma.local @!p0 [hbm:s0], s1  }
0x143: {  	s0 =	simm.s32 @!p0 $0x1  }
0x144: {  	_ =	swait.ge @!p0 [sflag:s0], s1  }
0x145: {  	s1 =	ssub.s32 @!p0 $0x0, s1;
	[sflag:s0] =	ssyncset.done @!p0 $0x0  }
0x146: {  	[sflag:s0] =	ssyncadd.s32 @!p0 s1  }
0x147: {  	[bflag:$0x3] =	sbarrier.arrive $0xFFFF  }
0x148: {  	_ =	shalt  }

</sc_bundles>
